<compile_context>
chip_gen: v7x
topology: tpu7x:2x2x1
jax: 0.10.2.dev20260603
libtpu: 0.0.44.dev20260713+nightly
codegen_flags: <defaults>
</compile_context>

<pallas_src>
import functools

import jax
import jax.numpy as jnp
from jax.experimental import pallas as pl
from jax.experimental.pallas import tpu as pltpu

_F32 = jnp.float32


def _leaky(v):
    return jnp.where(v >= 0, v, 0.2 * v)


def _sr(a):
    z = jnp.zeros((a.shape[0], 1), _F32)
    return jnp.concatenate([z, a[:, :-1]], axis=1)


def _sl(a):
    z = jnp.zeros((a.shape[0], 1), _F32)
    return jnp.concatenate([a[:, 1:], z], axis=1)


def _body(P_ref, W10_ref, W11_ref, W12_ref, W13_ref, be1_ref, Wc2_ref, be2_ref,
          Wfi_ref, bfi_ref, Wfo_ref, bfo_ref,
          E1_ref, E2_ref, E3_ref, E4_ref, T1_ref, T2_ref, T3_ref, T4_ref,
          D1e_ref, D1o_ref, bd1_ref, D2a_ref, D2b_ref, bd2_ref,
          y_ref, loss_ref, ppl_ref,
          esq_ref, hist_ref, lacc_ref, *, n_batch, n_codes, n_tok):
    b = pl.program_id(0)
    E_refs = (E1_ref, E2_ref, E3_ref, E4_ref)
    T_refs = (T1_ref, T2_ref, T3_ref, T4_ref)

    @pl.when(b == 0)
    def _init():
        for j, Er in enumerate(E_refs):
            e = Er[...]
            esq_ref[:, j:j + 1] = jnp.sum(e * e, axis=1, keepdims=True)
        hist_ref[...] = jnp.zeros_like(hist_ref)
        lacc_ref[...] = jnp.zeros_like(lacc_ref)

    dot = functools.partial(jnp.dot, preferred_element_type=_F32)

    p0 = P_ref[0, 0]
    p1 = P_ref[0, 1]
    p2 = P_ref[0, 2]
    p3 = P_ref[0, 3]
    rhs0 = jnp.concatenate([_sr(p3), p1], axis=1)
    rhs1 = jnp.concatenate([p0, p2], axis=1)
    rhs2 = jnp.concatenate([p1, p3], axis=1)
    rhs3 = jnp.concatenate([p2, _sl(p0)], axis=1)
    h1 = (dot(W10_ref[...], rhs0) + dot(W11_ref[...], rhs1)
          + dot(W12_ref[...], rhs2) + dot(W13_ref[...], rhs3))
    h1 = _leaky(h1 + be1_ref[...])
    h1e = h1[:, :128]
    h1o = h1[:, 128:]

    r2 = jnp.concatenate([_sr(h1o), h1e, h1o, _sl(h1e)], axis=0)
    h = _leaky(dot(Wc2_ref[...], r2) + be2_ref[...])

    zp = dot(Wfi_ref[...], h) + bfi_ref[...]
    zh = jnp.round(zp)
    Wfo = Wfo_ref[...]
    zfsq = bfo_ref[...] * jnp.ones((1, n_tok), _F32)
    for dch in range(4):
        zfsq = zfsq + Wfo[:, dch:dch + 1] * zh[dch:dch + 1, :]
    r = h - zfsq

    iota = jax.lax.broadcasted_iota(jnp.int32, (n_codes, n_tok), 0)
    lsum = jnp.zeros((1, 1), _F32)
    for j in range(4):
        scores = dot(E_refs[j][...], r)
        rsq = jnp.sum(r * r, axis=0, keepdims=True)
        d = (rsq + esq_ref[:, j:j + 1]) - 2.0 * scores
        minv = jnp.min(d, axis=0, keepdims=True)
        idx = jnp.min(jnp.where(d == minv, iota, n_codes), axis=0,
                      keepdims=True)
        enc = (iota == idx).astype(_F32)
        q = dot(T_refs[j][...], enc)
        r = r - q
        lsum = lsum + jnp.sum(
            jnp.sum(r * r, axis=0, keepdims=True), axis=1, keepdims=True)
        hist_ref[:, j:j + 1] += jnp.sum(enc, axis=1, keepdims=True)
    lacc_ref[...] += lsum
    z = h - r

    y1e = _leaky(dot(D1e_ref[...], jnp.concatenate([z, _sr(z)], axis=0))
                 + bd1_ref[...])
    y1o = _leaky(dot(D1o_ref[...], jnp.concatenate([z, _sl(z)], axis=0))
                 + bd1_ref[...])

    rhsA = jnp.concatenate(
        [jnp.concatenate([y1e, y1o], axis=1),
         jnp.concatenate([_sr(y1o), y1e], axis=1)], axis=0)
    pA = dot(D2a_ref[...], rhsA) + bd2_ref[...]
    rhsB = jnp.concatenate(
        [jnp.concatenate([y1o, _sl(y1e)], axis=1),
         jnp.concatenate([y1e, y1o], axis=1)], axis=0)
    pB = dot(D2b_ref[...], rhsB) + bd2_ref[...]
    y_ref[0, 0] = pA[:, :128]
    y_ref[0, 1] = pB[:, :128]
    y_ref[0, 2] = pA[:, 128:]
    y_ref[0, 3] = pB[:, 128:]

    @pl.when(b == n_batch - 1)
    def _fin():
        n_rows = jnp.float32(n_batch * n_tok)
        loss_ref[...] = lacc_ref[...] * (0.25 / (n_rows * 512.0))
        avg = hist_ref[...] * (1.0 / n_rows)
        ent = jnp.sum(avg * jnp.log(avg + 1e-10), axis=0, keepdims=True)
        ppl_ref[...] = jnp.sum(jnp.exp(-ent), axis=1, keepdims=True) * 0.25


def kernel(x, We1, be1, We2, be2, Wfi, bfi, Wfo, bfo,
           E1, E2, E3, E4, Wd1, bd1, Wd2, bd2):
    B, C, T = x.shape
    H = We1.shape[0]
    NE = E1.shape[0]
    TT = T // 4

    P = jnp.stack([x[:, :, k::4] for k in range(4)], axis=1)

    W1k = [We1[:, :, k] for k in range(4)]
    Wc2 = jnp.concatenate([We2[:, :, k] for k in range(4)], axis=1)
    D1e = jnp.concatenate([Wd1[:, :, 1].T, Wd1[:, :, 3].T], axis=1)
    D1o = jnp.concatenate([Wd1[:, :, 2].T, Wd1[:, :, 0].T], axis=1)
    D2a = jnp.concatenate([Wd2[:, :, 1].T, Wd2[:, :, 3].T], axis=1)
    D2b = jnp.concatenate([Wd2[:, :, 0].T, Wd2[:, :, 2].T], axis=1)
    col = lambda v: v.reshape(-1, 1)

    full = lambda a: pl.BlockSpec(a.shape, lambda b: (0,) * a.ndim)
    ins = [
        P, W1k[0], W1k[1], W1k[2], W1k[3], col(be1), Wc2, col(be2),
        Wfi, col(bfi), Wfo, col(bfo),
        E1, E2, E3, E4, E1.T, E2.T, E3.T, E4.T,
        D1e, D1o, col(bd1), D2a, D2b, col(bd2),
    ]
    in_specs = [pl.BlockSpec((1, 4, C, TT), lambda b: (b, 0, 0, 0))]
    in_specs += [full(a) for a in ins[1:]]

    out_shapes = (
        jax.ShapeDtypeStruct((B, 4, C, TT), _F32),
        jax.ShapeDtypeStruct((1, 1), _F32),
        jax.ShapeDtypeStruct((1, 1), _F32),
    )
    out_specs = (
        pl.BlockSpec((1, 4, C, TT), lambda b: (b, 0, 0, 0)),
        pl.BlockSpec((1, 1), lambda b: (0, 0)),
        pl.BlockSpec((1, 1), lambda b: (0, 0)),
    )

    y4, loss, ppl = pl.pallas_call(
        functools.partial(_body, n_batch=B, n_codes=NE, n_tok=TT),
        grid=(B,),
        in_specs=in_specs,
        out_specs=out_specs,
        out_shape=out_shapes,
        scratch_shapes=[
            pltpu.VMEM((NE, 4), _F32),
            pltpu.VMEM((NE, 4), _F32),
            pltpu.VMEM((1, 1), _F32),
        ],
        compiler_params=pltpu.CompilerParams(
            dimension_semantics=("arbitrary",)),
    )(*ins)

    y = jnp.transpose(y4, (0, 2, 3, 1)).reshape(B, C, T)
    return (y, loss[0, 0], ppl[0, 0])

# --- scband reference (transcript-rebuilt; emitter-appended) ---
"""Pipeline reference for scband-dual-motion-vqvae-5145370821485 (READ-ONLY COPY).

The authoritative reference and input builder live on the scoring server;
editing this copy changes nothing except your own understanding.
"""

import jax, jax.numpy as jnp
import numpy as np


def _leaky(x):
    return jnp.where(x >= 0, x, 0.2 * x)


def _conv1d(x, w, b, stride, pad):
    # x: [B, Cin, T], w: [Cout, Cin, K] (pytorch Conv1d layout)
    y = jax.lax.conv_general_dilated(x, w, (stride,), [(pad, pad)],
                                     dimension_numbers=('NCH', 'OIH', 'NCH'))
    return y + b[None, :, None]


def _convT1d(x, w, b, stride, pad):
    # x: [B, Cin, T], w: [Cin, Cout, K] (pytorch ConvTranspose1d layout)
    k = w.shape[2]
    w_t = jnp.transpose(jnp.flip(w, axis=-1), (1, 0, 2))  # [Cout, Cin, K]
    y = jax.lax.conv_general_dilated(x, w_t, (1,), [(k - 1 - pad, k - 1 - pad)],
                                     lhs_dilation=(stride,),
                                     dimension_numbers=('NCH', 'OIH', 'NCH'))
    return y + b[None, :, None]


def setup_inputs(seed: int = 0) -> dict:
    key = jax.random.key(seed)
    ks = jax.random.split(key, 20)
    B, C, T, H, F, NE = 128, 263, 512, 512, 4, 1024

    def w(k, shape, scale=0.02):
        return jax.random.normal(k, shape, dtype=jnp.float32) * scale

    return {
        'x': jax.random.normal(ks[0], (B, C, T), dtype=jnp.float32),
        # Encoder (simple): Conv1d(C->H,4,2,1), Conv1d(H->H,4,2,1)
        'We1': w(ks[1], (H, C, 4)), 'be1': jnp.zeros((H,), jnp.float32),
        'We2': w(ks[2], (H, H, 4)), 'be2': jnp.zeros((H,), jnp.float32),
        # FSQ project_in / project_out (1x1 convs)
        'Wfi': w(ks[3], (F, H)), 'bfi': jnp.zeros((F,), jnp.float32),
        'Wfo': w(ks[4], (H, F)), 'bfo': jnp.zeros((H,), jnp.float32),
        # ResidualVQ: 4 codebooks, init uniform(-1/NE, 1/NE) like nn.Embedding init in module
        'E1': jax.random.uniform(ks[5], (NE, H), jnp.float32, -1.0 / NE, 1.0 / NE),
        'E2': jax.random.uniform(ks[6], (NE, H), jnp.float32, -1.0 / NE, 1.0 / NE),
        'E3': jax.random.uniform(ks[7], (NE, H), jnp.float32, -1.0 / NE, 1.0 / NE),
        'E4': jax.random.uniform(ks[8], (NE, H), jnp.float32, -1.0 / NE, 1.0 / NE),
        # Decoder (simple): ConvTranspose1d(H->H,4,2,1), ConvTranspose1d(H->C,4,2,1)
        'Wd1': w(ks[9], (H, H, 4)), 'bd1': jnp.zeros((H,), jnp.float32),
        'Wd2': w(ks[10], (H, C, 4)), 'bd2': jnp.zeros((C,), jnp.float32),
    }


def reference(x, We1, be1, We2, be2, Wfi, bfi, Wfo, bfo, E1, E2, E3, E4, Wd1, bd1, Wd2, bd2):
    # Encoder (arch='simple')
    h = _leaky(_conv1d(x, We1, be1, 2, 1))
    h = _leaky(_conv1d(h, We2, be2, 2, 1))

    # FSQ branch: project_in -> round with STE -> project_out
    basis = jnp.array([1.0, 8.0, 40.0, 200.0], jnp.float32)  # cumprod([1]+levels[:-1])
    zp = jnp.einsum('bct,dc->bdt', h, Wfi) + bfi[None, :, None]
    zt = jnp.transpose(zp, (0, 2, 1))  # [B, T', F]
    zh = zt + jax.lax.stop_gradient(jnp.round(zt) - zt)
    z_fsq = jnp.einsum('btd,cd->bct', zh, Wfo) + bfo[None, :, None]
    fsq_indices = jnp.sum(zh * basis, axis=-1).astype(jnp.int64)

    # Residual VQ (4 layers, use_ema=True eval-mode: loss = 0.25 * commitment)
    residual = h - z_fsq
    total_loss = jnp.float32(0.0)
    qout = jnp.zeros_like(residual)
    r = residual
    ppls = []
    for E in (E1, E2, E3, E4):
        inp = jnp.transpose(r, (0, 2, 1))  # [B, T', H]
        flat = inp.reshape(-1, E.shape[1])
        d = (jnp.sum(flat ** 2, axis=1, keepdims=True)
             + jnp.sum(E ** 2, axis=1)
             - 2.0 * flat @ E.T)
        idx = jnp.argmin(d, axis=1)
        enc = jax.nn.one_hot(idx, E.shape[0], dtype=flat.dtype)
        q = (enc @ E).reshape(inp.shape)
        e_latent = jnp.mean((jax.lax.stop_gradient(q) - inp) ** 2)
        total_loss = total_loss + 0.25 * e_latent
        q = inp + jax.lax.stop_gradient(q - inp)  # straight-through
        avg = jnp.mean(enc, axis=0)
        ppls.append(jnp.exp(-jnp.sum(avg * jnp.log(avg + 1e-10))))
        q = jnp.transpose(q, (0, 2, 1))
        r = r - q
        qout = qout + q
    z_q = z_fsq + qout

    # Decoder (arch='simple')
    y = _leaky(_convT1d(z_q, Wd1, bd1, 2, 1))
    y = _convT1d(y, Wd2, bd2, 2, 1)

    perplexity = jnp.mean(jnp.stack(ppls))
    return (y, total_loss, perplexity)

if __name__ == "__main__":
    import jax
    _d = setup_inputs()
    print(jax.jit(kernel)(*tuple(_d.values())))

</pallas_src>

<mosaic_0001>
module attributes {stable_mosaic.version = 14 : i64} {
  func.func @_body(%arg0: i32, %arg1: memref<1x4x263x128xf32, #tpu.memory_space<vmem>>, %arg2: memref<512x263xf32, #tpu.memory_space<vmem>>, %arg3: memref<512x263xf32, #tpu.memory_space<vmem>>, %arg4: memref<512x263xf32, #tpu.memory_space<vmem>>, %arg5: memref<512x263xf32, #tpu.memory_space<vmem>>, %arg6: memref<512x1xf32, #tpu.memory_space<vmem>>, %arg7: memref<512x2048xf32, #tpu.memory_space<vmem>>, %arg8: memref<512x1xf32, #tpu.memory_space<vmem>>, %arg9: memref<4x512xf32, #tpu.memory_space<vmem>>, %arg10: memref<4x1xf32, #tpu.memory_space<vmem>>, %arg11: memref<512x4xf32, #tpu.memory_space<vmem>>, %arg12: memref<512x1xf32, #tpu.memory_space<vmem>>, %arg13: memref<1024x512xf32, #tpu.memory_space<vmem>>, %arg14: memref<1024x512xf32, #tpu.memory_space<vmem>>, %arg15: memref<1024x512xf32, #tpu.memory_space<vmem>>, %arg16: memref<1024x512xf32, #tpu.memory_space<vmem>>, %arg17: memref<512x1024xf32, #tpu.memory_space<vmem>>, %arg18: memref<512x1024xf32, #tpu.memory_space<vmem>>, %arg19: memref<512x1024xf32, #tpu.memory_space<vmem>>, %arg20: memref<512x1024xf32, #tpu.memory_space<vmem>>, %arg21: memref<512x1024xf32, #tpu.memory_space<vmem>>, %arg22: memref<512x1024xf32, #tpu.memory_space<vmem>>, %arg23: memref<512x1xf32, #tpu.memory_space<vmem>>, %arg24: memref<263x1024xf32, #tpu.memory_space<vmem>>, %arg25: memref<263x1024xf32, #tpu.memory_space<vmem>>, %arg26: memref<263x1xf32, #tpu.memory_space<vmem>>, %arg27: memref<1x4x263x128xf32, #tpu.memory_space<vmem>>, %arg28: memref<1x1xf32, #tpu.memory_space<vmem>>, %arg29: memref<1x1xf32, #tpu.memory_space<vmem>>, %arg30: memref<1024x4xf32, #tpu.memory_space<vmem>>, %arg31: memref<1024x4xf32, #tpu.memory_space<vmem>>, %arg32: memref<1x1xf32, #tpu.memory_space<vmem>>) attributes {dimension_semantics = [#tpu.dimension_semantics<arbitrary>], iteration_bounds = array<i64: 128>, scalar_prefetch = 0 : i64, scratch_operands = 3 : i64, tpu.core_type = #tpu.core_type<tc>, window_params = [{transform_indices = @transform_0, window_bounds = array<i64: 1, 4, 263, 128>}, {pipeline_mode = #tpu.pipeline_mode<synchronous>, transform_indices = @transform_1, window_bounds = array<i64: 512, 263>}, {pipeline_mode = #tpu.pipeline_mode<synchronous>, transform_indices = @transform_2, window_bounds = array<i64: 512, 263>}, {pipeline_mode = #tpu.pipeline_mode<synchronous>, transform_indices = @transform_3, window_bounds = array<i64: 512, 263>}, {pipeline_mode = #tpu.pipeline_mode<synchronous>, transform_indices = @transform_4, window_bounds = array<i64: 512, 263>}, {pipeline_mode = #tpu.pipeline_mode<synchronous>, transform_indices = @transform_5, window_bounds = array<i64: 512, 1>}, {pipeline_mode = #tpu.pipeline_mode<synchronous>, transform_indices = @transform_6, window_bounds = array<i64: 512, 2048>}, {pipeline_mode = #tpu.pipeline_mode<synchronous>, transform_indices = @transform_7, window_bounds = array<i64: 512, 1>}, {pipeline_mode = #tpu.pipeline_mode<synchronous>, transform_indices = @transform_8, window_bounds = array<i64: 4, 512>}, {pipeline_mode = #tpu.pipeline_mode<synchronous>, transform_indices = @transform_9, window_bounds = array<i64: 4, 1>}, {pipeline_mode = #tpu.pipeline_mode<synchronous>, transform_indices = @transform_10, window_bounds = array<i64: 512, 4>}, {pipeline_mode = #tpu.pipeline_mode<synchronous>, transform_indices = @transform_11, window_bounds = array<i64: 512, 1>}, {pipeline_mode = #tpu.pipeline_mode<synchronous>, transform_indices = @transform_12, window_bounds = array<i64: 1024, 512>}, {pipeline_mode = #tpu.pipeline_mode<synchronous>, transform_indices = @transform_13, window_bounds = array<i64: 1024, 512>}, {pipeline_mode = #tpu.pipeline_mode<synchronous>, transform_indices = @transform_14, window_bounds = array<i64: 1024, 512>}, {pipeline_mode = #tpu.pipeline_mode<synchronous>, transform_indices = @transform_15, window_bounds = array<i64: 1024, 512>}, {pipeline_mode = #tpu.pipeline_mode<synchronous>, transform_indices = @transform_16, window_bounds = array<i64: 512, 1024>}, {pipeline_mode = #tpu.pipeline_mode<synchronous>, transform_indices = @transform_17, window_bounds = array<i64: 512, 1024>}, {pipeline_mode = #tpu.pipeline_mode<synchronous>, transform_indices = @transform_18, window_bounds = array<i64: 512, 1024>}, {pipeline_mode = #tpu.pipeline_mode<synchronous>, transform_indices = @transform_19, window_bounds = array<i64: 512, 1024>}, {pipeline_mode = #tpu.pipeline_mode<synchronous>, transform_indices = @transform_20, window_bounds = array<i64: 512, 1024>}, {pipeline_mode = #tpu.pipeline_mode<synchronous>, transform_indices = @transform_21, window_bounds = array<i64: 512, 1024>}, {pipeline_mode = #tpu.pipeline_mode<synchronous>, transform_indices = @transform_22, window_bounds = array<i64: 512, 1>}, {pipeline_mode = #tpu.pipeline_mode<synchronous>, transform_indices = @transform_23, window_bounds = array<i64: 263, 1024>}, {pipeline_mode = #tpu.pipeline_mode<synchronous>, transform_indices = @transform_24, window_bounds = array<i64: 263, 1024>}, {pipeline_mode = #tpu.pipeline_mode<synchronous>, transform_indices = @transform_25, window_bounds = array<i64: 263, 1>}, {transform_indices = @transform_26, window_bounds = array<i64: 1, 4, 263, 128>}, {pipeline_mode = #tpu.pipeline_mode<synchronous>, transform_indices = @transform_27, window_bounds = array<i64: 1, 1>}, {pipeline_mode = #tpu.pipeline_mode<synchronous>, transform_indices = @transform_28, window_bounds = array<i64: 1, 1>}]} {
    %eq3A = arith.constant 0 : i32
    %eq3A_0 = arith.cmpi eq, %arg0, %eq3A : i32
    %convert_element_type3A = arith.extui %eq3A_0 : i1 to i32
    %cond3A = arith.constant 0 : i32
    %cond3A_1 = arith.cmpi ne, %convert_element_type3A, %cond3A : i32
    scf.if %cond3A_1 {
      %get3A_490 = arith.constant 0 : index
      %get3A_491 = arith.constant 0 : index
      %get3A_492 = vector.load %arg13[%get3A_490, %get3A_491] : memref<1024x512xf32, #tpu.memory_space<vmem>>, vector<1024x512xf32>
      %mul3A_493 = arith.mulf %get3A_492, %get3A_492 : vector<1024x512xf32>
      %reduce_sum3A_494 = arith.constant dense<0.000000e+00> : vector<1024xf32>
      %reduce_sum3A_495 = vector.multi_reduction <add>, %mul3A_493, %reduce_sum3A_494 [1] : vector<1024x512xf32> to vector<1024xf32>
      %broadcast_in_dim3A_496 = vector.shape_cast %reduce_sum3A_495 : vector<1024xf32> to vector<1024x1xf32>
      %swap3A_497 = arith.constant 0 : index
      %swap3A_498 = arith.constant 0 : index
      %swap3A_499 = vector.load %arg30[%swap3A_497, %swap3A_498] : memref<1024x4xf32, #tpu.memory_space<vmem>>, vector<1024x1xf32>
      tpu.vector_store %arg30[%swap3A_497, %swap3A_498], %broadcast_in_dim3A_496 {strides = array<i32>} : memref<1024x4xf32, #tpu.memory_space<vmem>>, vector<1024x1xf32>,
      %get3A_500 = arith.constant 0 : index
      %get3A_501 = arith.constant 0 : index
      %get3A_502 = vector.load %arg14[%get3A_500, %get3A_501] : memref<1024x512xf32, #tpu.memory_space<vmem>>, vector<1024x512xf32>
      %mul3A_503 = arith.mulf %get3A_502, %get3A_502 : vector<1024x512xf32>
      %reduce_sum3A_504 = arith.constant dense<0.000000e+00> : vector<1024xf32>
      %reduce_sum3A_505 = vector.multi_reduction <add>, %mul3A_503, %reduce_sum3A_504 [1] : vector<1024x512xf32> to vector<1024xf32>
      %broadcast_in_dim3A_506 = vector.shape_cast %reduce_sum3A_505 : vector<1024xf32> to vector<1024x1xf32>
      %swap3A_507 = arith.constant 0 : index
      %swap3A_508 = arith.constant 1 : index
      %swap3A_509 = vector.load %arg30[%swap3A_507, %swap3A_508] : memref<1024x4xf32, #tpu.memory_space<vmem>>, vector<1024x1xf32>
      tpu.vector_store %arg30[%swap3A_507, %swap3A_508], %broadcast_in_dim3A_506 {strides = array<i32>} : memref<1024x4xf32, #tpu.memory_space<vmem>>, vector<1024x1xf32>,
      %get3A_510 = arith.constant 0 : index
      %get3A_511 = arith.constant 0 : index
      %get3A_512 = vector.load %arg15[%get3A_510, %get3A_511] : memref<1024x512xf32, #tpu.memory_space<vmem>>, vector<1024x512xf32>
      %mul3A_513 = arith.mulf %get3A_512, %get3A_512 : vector<1024x512xf32>
      %reduce_sum3A_514 = arith.constant dense<0.000000e+00> : vector<1024xf32>
      %reduce_sum3A_515 = vector.multi_reduction <add>, %mul3A_513, %reduce_sum3A_514 [1] : vector<1024x512xf32> to vector<1024xf32>
      %broadcast_in_dim3A_516 = vector.shape_cast %reduce_sum3A_515 : vector<1024xf32> to vector<1024x1xf32>
      %swap3A_517 = arith.constant 0 : index
      %swap3A_518 = arith.constant 2 : index
      %swap3A_519 = vector.load %arg30[%swap3A_517, %swap3A_518] : memref<1024x4xf32, #tpu.memory_space<vmem>>, vector<1024x1xf32>
      tpu.vector_store %arg30[%swap3A_517, %swap3A_518], %broadcast_in_dim3A_516 {strides = array<i32>} : memref<1024x4xf32, #tpu.memory_space<vmem>>, vector<1024x1xf32>,
      %get3A_520 = arith.constant 0 : index
      %get3A_521 = arith.constant 0 : index
      %get3A_522 = vector.load %arg16[%get3A_520, %get3A_521] : memref<1024x512xf32, #tpu.memory_space<vmem>>, vector<1024x512xf32>
      %mul3A_523 = arith.mulf %get3A_522, %get3A_522 : vector<1024x512xf32>
      %reduce_sum3A_524 = arith.constant dense<0.000000e+00> : vector<1024xf32>
      %reduce_sum3A_525 = vector.multi_reduction <add>, %mul3A_523, %reduce_sum3A_524 [1] : vector<1024x512xf32> to vector<1024xf32>
      %broadcast_in_dim3A_526 = vector.shape_cast %reduce_sum3A_525 : vector<1024xf32> to vector<1024x1xf32>
      %swap3A_527 = arith.constant 0 : index
      %swap3A_528 = arith.constant 3 : index
      %swap3A_529 = vector.load %arg30[%swap3A_527, %swap3A_528] : memref<1024x4xf32, #tpu.memory_space<vmem>>, vector<1024x1xf32>
      tpu.vector_store %arg30[%swap3A_527, %swap3A_528], %broadcast_in_dim3A_526 {strides = array<i32>} : memref<1024x4xf32, #tpu.memory_space<vmem>>, vector<1024x1xf32>,
      %broadcast_in_dim3A_530 = arith.constant 0.000000e+00 : f32
      %broadcast_in_dim3A_531 = vector.broadcast %broadcast_in_dim3A_530 : f32 to vector<1024x4xf32>
      %swap3A_532 = arith.constant 0 : index
      %swap3A_533 = arith.constant 0 : index
      %swap3A_534 = vector.load %arg31[%swap3A_532, %swap3A_533] : memref<1024x4xf32, #tpu.memory_space<vmem>>, vector<1024x4xf32>
      tpu.vector_store %arg31[%swap3A_532, %swap3A_533], %broadcast_in_dim3A_531 {strides = array<i32>} : memref<1024x4xf32, #tpu.memory_space<vmem>>, vector<1024x4xf32>,
      %broadcast_in_dim3A_535 = arith.constant 0.000000e+00 : f32
      %broadcast_in_dim3A_536 = vector.broadcast %broadcast_in_dim3A_535 : f32 to vector<1x1xf32>
      %swap3A_537 = arith.constant 0 : index
      %swap3A_538 = arith.constant 0 : index
      %swap3A_539 = vector.load %arg32[%swap3A_537, %swap3A_538] : memref<1x1xf32, #tpu.memory_space<vmem>>, vector<1x1xf32>
      tpu.vector_store %arg32[%swap3A_537, %swap3A_538], %broadcast_in_dim3A_536 {strides = array<i32>} : memref<1x1xf32, #tpu.memory_space<vmem>>, vector<1x1xf32>,
    } else {
    }
    %get3A = arith.constant 0 : index
    %get3A_2 = arith.constant 0 : index
    %get3A_3 = arith.constant 0 : index
    %get3A_4 = arith.constant 0 : index
    %get3A_5 = vector.load %arg1[%get3A, %get3A_2, %get3A_3, %get3A_4] : memref<1x4x263x128xf32, #tpu.memory_space<vmem>>, vector<1x1x263x128xf32>
    %get3A_6 = vector.shape_cast %get3A_5 : vector<1x1x263x128xf32> to vector<263x128xf32>
    %get3A_7 = arith.constant 0 : index
    %get3A_8 = arith.constant 1 : index
    %get3A_9 = arith.constant 0 : index
    %get3A_10 = arith.constant 0 : index
    %get3A_11 = vector.load %arg1[%get3A_7, %get3A_8, %get3A_9, %get3A_10] : memref<1x4x263x128xf32, #tpu.memory_space<vmem>>, vector<1x1x263x128xf32>
    %get3A_12 = vector.shape_cast %get3A_11 : vector<1x1x263x128xf32> to vector<263x128xf32>
    %get3A_13 = arith.constant 0 : index
    %get3A_14 = arith.constant 2 : index
    %get3A_15 = arith.constant 0 : index
    %get3A_16 = arith.constant 0 : index
    %get3A_17 = vector.load %arg1[%get3A_13, %get3A_14, %get3A_15, %get3A_16] : memref<1x4x263x128xf32, #tpu.memory_space<vmem>>, vector<1x1x263x128xf32>
    %get3A_18 = vector.shape_cast %get3A_17 : vector<1x1x263x128xf32> to vector<263x128xf32>
    %get3A_19 = arith.constant 0 : index
    %get3A_20 = arith.constant 3 : index
    %get3A_21 = arith.constant 0 : index
    %get3A_22 = arith.constant 0 : index
    %get3A_23 = vector.load %arg1[%get3A_19, %get3A_20, %get3A_21, %get3A_22] : memref<1x4x263x128xf32, #tpu.memory_space<vmem>>, vector<1x1x263x128xf32>
    %get3A_24 = vector.shape_cast %get3A_23 : vector<1x1x263x128xf32> to vector<263x128xf32>
    %broadcast_in_dim3A = arith.constant 0.000000e+00 : f32
    %broadcast_in_dim3A_25 = vector.broadcast %broadcast_in_dim3A : f32 to vector<263x1xf32>
    %slice3A = vector.extract_strided_slice %get3A_24 {offsets = [0, 0], sizes = [263, 127], strides = [1, 1]} : vector<263x128xf32> to vector<263x127xf32>
    %concatenate3A = tpu.concatenate %broadcast_in_dim3A_25, %slice3A in 1 : vector<263x1xf32>, vector<263x127xf32> -> vector<263x128xf32>
    %concatenate3A_26 = tpu.concatenate %concatenate3A, %get3A_12 in 1 : vector<263x128xf32>, vector<263x128xf32> -> vector<263x256xf32>
    %concatenate3A_27 = tpu.concatenate %get3A_6, %get3A_18 in 1 : vector<263x128xf32>, vector<263x128xf32> -> vector<263x256xf32>
    %concatenate3A_28 = tpu.concatenate %get3A_12, %get3A_24 in 1 : vector<263x128xf32>, vector<263x128xf32> -> vector<263x256xf32>
    %broadcast_in_dim3A_29 = arith.constant 0.000000e+00 : f32
    %broadcast_in_dim3A_30 = vector.broadcast %broadcast_in_dim3A_29 : f32 to vector<263x1xf32>
    %slice3A_31 = vector.extract_strided_slice %get3A_6 {offsets = [0, 1], sizes = [263, 127], strides = [1, 1]} : vector<263x128xf32> to vector<263x127xf32>
    %concatenate3A_32 = tpu.concatenate %slice3A_31, %broadcast_in_dim3A_30 in 1 : vector<263x127xf32>, vector<263x1xf32> -> vector<263x128xf32>
    %concatenate3A_33 = tpu.concatenate %get3A_18, %concatenate3A_32 in 1 : vector<263x128xf32>, vector<263x128xf32> -> vector<263x256xf32>
    %get3A_34 = arith.constant 0 : index
    %get3A_35 = arith.constant 0 : index
    %get3A_36 = vector.load %arg2[%get3A_34, %get3A_35] : memref<512x263xf32, #tpu.memory_space<vmem>>, vector<512x263xf32>
    %dot_general3A = arith.constant dense<0.000000e+00> : vector<512x256xf32>
    %dot_general3A_37 = tpu.matmul %get3A_36, %concatenate3A_26, %dot_general3A {dimension_numbers = #tpu.dot_dimension_numbers<[1], [0], [0], [1], [0, 0, 1, 1], [], []>, transpose_lhs_hint = false} : vector<512x263xf32>, vector<263x256xf32>, vector<512x256xf32> -> vector<512x256xf32>
    %get3A_38 = arith.constant 0 : index
    %get3A_39 = arith.constant 0 : index
    %get3A_40 = vector.load %arg3[%get3A_38, %get3A_39] : memref<512x263xf32, #tpu.memory_space<vmem>>, vector<512x263xf32>
    %dot_general3A_41 = arith.constant dense<0.000000e+00> : vector<512x256xf32>
    %dot_general3A_42 = tpu.matmul %get3A_40, %concatenate3A_27, %dot_general3A_41 {dimension_numbers = #tpu.dot_dimension_numbers<[1], [0], [0], [1], [0, 0, 1, 1], [], []>, transpose_lhs_hint = false} : vector<512x263xf32>, vector<263x256xf32>, vector<512x256xf32> -> vector<512x256xf32>
    %add3A = arith.addf %dot_general3A_37, %dot_general3A_42 : vector<512x256xf32>
    %get3A_43 = arith.constant 0 : index
    %get3A_44 = arith.constant 0 : index
    %get3A_45 = vector.load %arg4[%get3A_43, %get3A_44] : memref<512x263xf32, #tpu.memory_space<vmem>>, vector<512x263xf32>
    %dot_general3A_46 = arith.constant dense<0.000000e+00> : vector<512x256xf32>
    %dot_general3A_47 = tpu.matmul %get3A_45, %concatenate3A_28, %dot_general3A_46 {dimension_numbers = #tpu.dot_dimension_numbers<[1], [0], [0], [1], [0, 0, 1, 1], [], []>, transpose_lhs_hint = false} : vector<512x263xf32>, vector<263x256xf32>, vector<512x256xf32> -> vector<512x256xf32>
    %add3A_48 = arith.addf %add3A, %dot_general3A_47 : vector<512x256xf32>
    %get3A_49 = arith.constant 0 : index
    %get3A_50 = arith.constant 0 : index
    %get3A_51 = vector.load %arg5[%get3A_49, %get3A_50] : memref<512x263xf32, #tpu.memory_space<vmem>>, vector<512x263xf32>
    %dot_general3A_52 = arith.constant dense<0.000000e+00> : vector<512x256xf32>
    %dot_general3A_53 = tpu.matmul %get3A_51, %concatenate3A_33, %dot_general3A_52 {dimension_numbers = #tpu.dot_dimension_numbers<[1], [0], [0], [1], [0, 0, 1, 1], [], []>, transpose_lhs_hint = false} : vector<512x263xf32>, vector<263x256xf32>, vector<512x256xf32> -> vector<512x256xf32>
    %add3A_54 = arith.addf %add3A_48, %dot_general3A_53 : vector<512x256xf32>
    %get3A_55 = arith.constant 0 : index
    %get3A_56 = arith.constant 0 : index
    %get3A_57 = vector.load %arg6[%get3A_55, %get3A_56] : memref<512x1xf32, #tpu.memory_space<vmem>>, vector<512x1xf32>
    %add3A_58 = vector.broadcast %get3A_57 : vector<512x1xf32> to vector<512x256xf32>
    %add3A_59 = arith.addf %add3A_54, %add3A_58 : vector<512x256xf32>
    %ge3A = arith.constant 0.000000e+00 : f32
    %ge3A_60 = vector.broadcast %ge3A : f32 to vector<512x256xf32>
    %ge3A_61 = arith.cmpf oge, %add3A_59, %ge3A_60 : vector<512x256xf32>
    %mul3A = arith.constant 2.000000e-01 : f32
    %mul3A_62 = vector.broadcast %mul3A : f32 to vector<512x256xf32>
    %mul3A_63 = arith.mulf %mul3A_62, %add3A_59 : vector<512x256xf32>
    %select_n3A = arith.select %ge3A_61, %add3A_59, %mul3A_63 : vector<512x256xi1>, vector<512x256xf32>
    %slice3A_64 = vector.extract_strided_slice %select_n3A {offsets = [0, 0], sizes = [512, 128], strides = [1, 1]} : vector<512x256xf32> to vector<512x128xf32>
    %slice3A_65 = vector.extract_strided_slice %select_n3A {offsets = [0, 128], sizes = [512, 128], strides = [1, 1]} : vector<512x256xf32> to vector<512x128xf32>
    %broadcast_in_dim3A_66 = arith.constant 0.000000e+00 : f32
    %broadcast_in_dim3A_67 = vector.broadcast %broadcast_in_dim3A_66 : f32 to vector<512x1xf32>
    %slice3A_68 = vector.extract_strided_slice %slice3A_65 {offsets = [0, 0], sizes = [512, 127], strides = [1, 1]} : vector<512x128xf32> to vector<512x127xf32>
    %concatenate3A_69 = tpu.concatenate %broadcast_in_dim3A_67, %slice3A_68 in 1 : vector<512x1xf32>, vector<512x127xf32> -> vector<512x128xf32>
    %broadcast_in_dim3A_70 = arith.constant 0.000000e+00 : f32
    %broadcast_in_dim3A_71 = vector.broadcast %broadcast_in_dim3A_70 : f32 to vector<512x1xf32>
    %slice3A_72 = vector.extract_strided_slice %slice3A_64 {offsets = [0, 1], sizes = [512, 127], strides = [1, 1]} : vector<512x128xf32> to vector<512x127xf32>
    %concatenate3A_73 = tpu.concatenate %slice3A_72, %broadcast_in_dim3A_71 in 1 : vector<512x127xf32>, vector<512x1xf32> -> vector<512x128xf32>
    %concatenate3A_74 = tpu.concatenate %concatenate3A_69, %slice3A_64, %slice3A_65, %concatenate3A_73 in 0 : vector<512x128xf32>, vector<512x128xf32>, vector<512x128xf32>, vector<512x128xf32> -> vector<2048x128xf32>
    %get3A_75 = arith.constant 0 : index
    %get3A_76 = arith.constant 0 : index
    %get3A_77 = vector.load %arg7[%get3A_75, %get3A_76] : memref<512x2048xf32, #tpu.memory_space<vmem>>, vector<512x2048xf32>
    %dot_general3A_78 = arith.constant dense<0.000000e+00> : vector<512x128xf32>
    %dot_general3A_79 = tpu.matmul %get3A_77, %concatenate3A_74, %dot_general3A_78 {dimension_numbers = #tpu.dot_dimension_numbers<[1], [0], [0], [1], [0, 0, 1, 1], [], []>, transpose_lhs_hint = false} : vector<512x2048xf32>, vector<2048x128xf32>, vector<512x128xf32> -> vector<512x128xf32>
    %get3A_80 = arith.constant 0 : index
    %get3A_81 = arith.constant 0 : index
    %get3A_82 = vector.load %arg8[%get3A_80, %get3A_81] : memref<512x1xf32, #tpu.memory_space<vmem>>, vector<512x1xf32>
    %add3A_83 = vector.broadcast %get3A_82 : vector<512x1xf32> to vector<512x128xf32>
    %add3A_84 = arith.addf %dot_general3A_79, %add3A_83 : vector<512x128xf32>
    %ge3A_85 = arith.constant 0.000000e+00 : f32
    %ge3A_86 = vector.broadcast %ge3A_85 : f32 to vector<512x128xf32>
    %ge3A_87 = arith.cmpf oge, %add3A_84, %ge3A_86 : vector<512x128xf32>
    %mul3A_88 = arith.constant 2.000000e-01 : f32
    %mul3A_89 = vector.broadcast %mul3A_88 : f32 to vector<512x128xf32>
    %mul3A_90 = arith.mulf %mul3A_89, %add3A_84 : vector<512x128xf32>
    %select_n3A_91 = arith.select %ge3A_87, %add3A_84, %mul3A_90 : vector<512x128xi1>, vector<512x128xf32>
    %get3A_92 = arith.constant 0 : index
    %get3A_93 = arith.constant 0 : index
    %get3A_94 = vector.load %arg9[%get3A_92, %get3A_93] : memref<4x512xf32, #tpu.memory_space<vmem>>, vector<4x512xf32>
    %dot_general3A_95 = arith.constant dense<0.000000e+00> : vector<4x128xf32>
    %dot_general3A_96 = tpu.matmul %get3A_94, %select_n3A_91, %dot_general3A_95 {dimension_numbers = #tpu.dot_dimension_numbers<[1], [0], [0], [1], [0, 0, 1, 1], [], []>, transpose_lhs_hint = false} : vector<4x512xf32>, vector<512x128xf32>, vector<4x128xf32> -> vector<4x128xf32>
    %get3A_97 = arith.constant 0 : index
    %get3A_98 = arith.constant 0 : index
    %get3A_99 = vector.load %arg10[%get3A_97, %get3A_98] : memref<4x1xf32, #tpu.memory_space<vmem>>, vector<4x1xf32>
    %add3A_100 = vector.broadcast %get3A_99 : vector<4x1xf32> to vector<4x128xf32>
    %add3A_101 = arith.addf %dot_general3A_96, %add3A_100 : vector<4x128xf32>
    %round3A = math.roundeven %add3A_101 : vector<4x128xf32>
    %get3A_102 = arith.constant 0 : index
    %get3A_103 = arith.constant 0 : index
    %get3A_104 = vector.load %arg11[%get3A_102, %get3A_103] : memref<512x4xf32, #tpu.memory_space<vmem>>, vector<512x4xf32>
    %get3A_105 = arith.constant 0 : index
    %get3A_106 = arith.constant 0 : index
    %get3A_107 = vector.load %arg12[%get3A_105, %get3A_106] : memref<512x1xf32, #tpu.memory_space<vmem>>, vector<512x1xf32>
    %broadcast_in_dim3A_108 = arith.constant 1.000000e+00 : f32
    %broadcast_in_dim3A_109 = vector.broadcast %broadcast_in_dim3A_108 : f32 to vector<1x128xf32>
    %mul3A_110 = vector.broadcast %get3A_107 : vector<512x1xf32> to vector<512x128xf32>
    %mul3A_111 = vector.broadcast %broadcast_in_dim3A_109 : vector<1x128xf32> to vector<512x128xf32>
    %mul3A_112 = arith.mulf %mul3A_110, %mul3A_111 : vector<512x128xf32>
    %slice3A_113 = vector.extract_strided_slice %get3A_104 {offsets = [0, 0], sizes = [512, 1], strides = [1, 1]} : vector<512x4xf32> to vector<512x1xf32>
    %slice3A_114 = vector.extract_strided_slice %round3A {offsets = [0, 0], sizes = [1, 128], strides = [1, 1]} : vector<4x128xf32> to vector<1x128xf32>
    %mul3A_115 = vector.broadcast %slice3A_113 : vector<512x1xf32> to vector<512x128xf32>
    %mul3A_116 = vector.broadcast %slice3A_114 : vector<1x128xf32> to vector<512x128xf32>
    %mul3A_117 = arith.mulf %mul3A_115, %mul3A_116 : vector<512x128xf32>
    %add3A_118 = arith.addf %mul3A_112, %mul3A_117 : vector<512x128xf32>
    %slice3A_119 = vector.extract_strided_slice %get3A_104 {offsets = [0, 1], sizes = [512, 1], strides = [1, 1]} : vector<512x4xf32> to vector<512x1xf32>
    %slice3A_120 = vector.extract_strided_slice %round3A {offsets = [1, 0], sizes = [1, 128], strides = [1, 1]} : vector<4x128xf32> to vector<1x128xf32>
    %mul3A_121 = vector.broadcast %slice3A_119 : vector<512x1xf32> to vector<512x128xf32>
    %mul3A_122 = vector.broadcast %slice3A_120 : vector<1x128xf32> to vector<512x128xf32>
    %mul3A_123 = arith.mulf %mul3A_121, %mul3A_122 : vector<512x128xf32>
    %add3A_124 = arith.addf %add3A_118, %mul3A_123 : vector<512x128xf32>
    %slice3A_125 = vector.extract_strided_slice %get3A_104 {offsets = [0, 2], sizes = [512, 1], strides = [1, 1]} : vector<512x4xf32> to vector<512x1xf32>
    %slice3A_126 = vector.extract_strided_slice %round3A {offsets = [2, 0], sizes = [1, 128], strides = [1, 1]} : vector<4x128xf32> to vector<1x128xf32>
    %mul3A_127 = vector.broadcast %slice3A_125 : vector<512x1xf32> to vector<512x128xf32>
    %mul3A_128 = vector.broadcast %slice3A_126 : vector<1x128xf32> to vector<512x128xf32>
    %mul3A_129 = arith.mulf %mul3A_127, %mul3A_128 : vector<512x128xf32>
    %add3A_130 = arith.addf %add3A_124, %mul3A_129 : vector<512x128xf32>
    %slice3A_131 = vector.extract_strided_slice %get3A_104 {offsets = [0, 3], sizes = [512, 1], strides = [1, 1]} : vector<512x4xf32> to vector<512x1xf32>
    %slice3A_132 = vector.extract_strided_slice %round3A {offsets = [3, 0], sizes = [1, 128], strides = [1, 1]} : vector<4x128xf32> to vector<1x128xf32>
    %mul3A_133 = vector.broadcast %slice3A_131 : vector<512x1xf32> to vector<512x128xf32>
    %mul3A_134 = vector.broadcast %slice3A_132 : vector<1x128xf32> to vector<512x128xf32>
    %mul3A_135 = arith.mulf %mul3A_133, %mul3A_134 : vector<512x128xf32>
    %add3A_136 = arith.addf %add3A_130, %mul3A_135 : vector<512x128xf32>
    %sub3A = arith.subf %select_n3A_91, %add3A_136 : vector<512x128xf32>
    %iota3A = tpu.iota {dimensions = array<i32: 0>} : vector<1024x128xi32>
    %broadcast_in_dim3A_137 = arith.constant 0.000000e+00 : f32
    %broadcast_in_dim3A_138 = vector.broadcast %broadcast_in_dim3A_137 : f32 to vector<1x1xf32>
    %get3A_139 = arith.constant 0 : index
    %get3A_140 = arith.constant 0 : index
    %get3A_141 = vector.load %arg13[%get3A_139, %get3A_140] : memref<1024x512xf32, #tpu.memory_space<vmem>>, vector<1024x512xf32>
    %dot_general3A_142 = arith.constant dense<0.000000e+00> : vector<1024x128xf32>
    %dot_general3A_143 = tpu.matmul %get3A_141, %sub3A, %dot_general3A_142 {dimension_numbers = #tpu.dot_dimension_numbers<[1], [0], [0], [1], [0, 0, 1, 1], [], []>, transpose_lhs_hint = false} : vector<1024x512xf32>, vector<512x128xf32>, vector<1024x128xf32> -> vector<1024x128xf32>
    %mul3A_144 = arith.mulf %sub3A, %sub3A : vector<512x128xf32>
    %reduce_sum3A = arith.constant dense<0.000000e+00> : vector<128xf32>
    %reduce_sum3A_145 = vector.multi_reduction <add>, %mul3A_144, %reduce_sum3A [0] : vector<512x128xf32> to vector<128xf32>
    %broadcast_in_dim3A_146 = vector.shape_cast %reduce_sum3A_145 : vector<128xf32> to vector<1x128xf32>
    %get3A_147 = arith.constant 0 : index
    %get3A_148 = arith.constant 0 : index
    %get3A_149 = vector.load %arg30[%get3A_147, %get3A_148] : memref<1024x4xf32, #tpu.memory_space<vmem>>, vector<1024x1xf32>
    %add3A_150 = vector.broadcast %broadcast_in_dim3A_146 : vector<1x128xf32> to vector<1024x128xf32>
    %add3A_151 = vector.broadcast %get3A_149 : vector<1024x1xf32> to vector<1024x128xf32>
    %add3A_152 = arith.addf %add3A_150, %add3A_151 : vector<1024x128xf32>
    %mul3A_153 = arith.constant 2.000000e+00 : f32
    %mul3A_154 = vector.broadcast %mul3A_153 : f32 to vector<1024x128xf32>
    %mul3A_155 = arith.mulf %mul3A_154, %dot_general3A_143 : vector<1024x128xf32>
    %sub3A_156 = arith.subf %add3A_152, %mul3A_155 : vector<1024x128xf32>
    %reduce_min3A = arith.constant dense<0x7F800000> : vector<128xf32>
    %reduce_min3A_157 = vector.multi_reduction <minimumf>, %sub3A_156, %reduce_min3A [0] : vector<1024x128xf32> to vector<128xf32>
    %broadcast_in_dim3A_158 = vector.shape_cast %reduce_min3A_157 : vector<128xf32> to vector<1x128xf32>
    %eq3A_159 = vector.broadcast %broadcast_in_dim3A_158 : vector<1x128xf32> to vector<1024x128xf32>
    %eq3A_160 = arith.cmpf oeq, %sub3A_156, %eq3A_159 : vector<1024x128xf32>
    %jit3A = arith.constant 1024 : i32
    %broadcast_in_dim3A_161 = vector.broadcast %jit3A : i32 to vector<1024x128xi32>
    %select_n3A_162 = arith.select %eq3A_160, %iota3A, %broadcast_in_dim3A_161 : vector<1024x128xi1>, vector<1024x128xi32>
    %reduce_min3A_163 = arith.constant dense<2147483647> : vector<128xi32>
    %reduce_min3A_164 = vector.multi_reduction <minsi>, %select_n3A_162, %reduce_min3A_163 [0] : vector<1024x128xi32> to vector<128xi32>
    %broadcast_in_dim3A_165 = vector.shape_cast %reduce_min3A_164 : vector<128xi32> to vector<1x128xi32>
    %eq3A_166 = vector.broadcast %broadcast_in_dim3A_165 : vector<1x128xi32> to vector<1024x128xi32>
    %eq3A_167 = arith.cmpi eq, %iota3A, %eq3A_166 : vector<1024x128xi32>
    %convert_element_type3A_168 = arith.extui %eq3A_167 : vector<1024x128xi1> to vector<1024x128xi32>
    %convert_element_type3A_169 = arith.sitofp %convert_element_type3A_168 : vector<1024x128xi32> to vector<1024x128xf32>
    %get3A_170 = arith.constant 0 : index
    %get3A_171 = arith.constant 0 : index
    %get3A_172 = vector.load %arg17[%get3A_170, %get3A_171] : memref<512x1024xf32, #tpu.memory_space<vmem>>, vector<512x1024xf32>
    %dot_general3A_173 = arith.constant dense<0.000000e+00> : vector<512x128xf32>
    %dot_general3A_174 = tpu.matmul %get3A_172, %convert_element_type3A_169, %dot_general3A_173 {dimension_numbers = #tpu.dot_dimension_numbers<[1], [0], [0], [1], [0, 0, 1, 1], [], []>, transpose_lhs_hint = false} : vector<512x1024xf32>, vector<1024x128xf32>, vector<512x128xf32> -> vector<512x128xf32>
    %sub3A_175 = arith.subf %sub3A, %dot_general3A_174 : vector<512x128xf32>
    %mul3A_176 = arith.mulf %sub3A_175, %sub3A_175 : vector<512x128xf32>
    %reduce_sum3A_177 = arith.constant dense<0.000000e+00> : vector<128xf32>
    %reduce_sum3A_178 = vector.multi_reduction <add>, %mul3A_176, %reduce_sum3A_177 [0] : vector<512x128xf32> to vector<128xf32>
    %broadcast_in_dim3A_179 = vector.shape_cast %reduce_sum3A_178 : vector<128xf32> to vector<1x128xf32>
    %reduce_sum3A_180 = arith.constant dense<0.000000e+00> : vector<1xf32>
    %reduce_sum3A_181 = vector.multi_reduction <add>, %broadcast_in_dim3A_179, %reduce_sum3A_180 [1] : vector<1x128xf32> to vector<1xf32>
    %broadcast_in_dim3A_182 = vector.shape_cast %reduce_sum3A_181 : vector<1xf32> to vector<1x1xf32>
    %add3A_183 = arith.addf %broadcast_in_dim3A_138, %broadcast_in_dim3A_182 : vector<1x1xf32>
    %get3A_184 = arith.constant 0 : index
    %get3A_185 = arith.constant 0 : index
    %get3A_186 = vector.load %arg31[%get3A_184, %get3A_185] : memref<1024x4xf32, #tpu.memory_space<vmem>>, vector<1024x1xf32>
    %reduce_sum3A_187 = arith.constant dense<0.000000e+00> : vector<1024xf32>
    %reduce_sum3A_188 = vector.multi_reduction <add>, %convert_element_type3A_169, %reduce_sum3A_187 [1] : vector<1024x128xf32> to vector<1024xf32>
    %broadcast_in_dim3A_189 = vector.shape_cast %reduce_sum3A_188 : vector<1024xf32> to vector<1024x1xf32>
    %add3A_190 = arith.addf %get3A_186, %broadcast_in_dim3A_189 : vector<1024x1xf32>
    %swap3A = arith.constant 0 : index
    %swap3A_191 = arith.constant 0 : index
    %swap3A_192 = vector.load %arg31[%swap3A, %swap3A_191] : memref<1024x4xf32, #tpu.memory_space<vmem>>, vector<1024x1xf32>
    tpu.vector_store %arg31[%swap3A, %swap3A_191], %add3A_190 {strides = array<i32>} : memref<1024x4xf32, #tpu.memory_space<vmem>>, vector<1024x1xf32>,
    %get3A_193 = arith.constant 0 : index
    %get3A_194 = arith.constant 0 : index
    %get3A_195 = vector.load %arg14[%get3A_193, %get3A_194] : memref<1024x512xf32, #tpu.memory_space<vmem>>, vector<1024x512xf32>
    %dot_general3A_196 = arith.constant dense<0.000000e+00> : vector<1024x128xf32>
    %dot_general3A_197 = tpu.matmul %get3A_195, %sub3A_175, %dot_general3A_196 {dimension_numbers = #tpu.dot_dimension_numbers<[1], [0], [0], [1], [0, 0, 1, 1], [], []>, transpose_lhs_hint = false} : vector<1024x512xf32>, vector<512x128xf32>, vector<1024x128xf32> -> vector<1024x128xf32>
    %mul3A_198 = arith.mulf %sub3A_175, %sub3A_175 : vector<512x128xf32>
    %reduce_sum3A_199 = arith.constant dense<0.000000e+00> : vector<128xf32>
    %reduce_sum3A_200 = vector.multi_reduction <add>, %mul3A_198, %reduce_sum3A_199 [0] : vector<512x128xf32> to vector<128xf32>
    %broadcast_in_dim3A_201 = vector.shape_cast %reduce_sum3A_200 : vector<128xf32> to vector<1x128xf32>
    %get3A_202 = arith.constant 0 : index
    %get3A_203 = arith.constant 1 : index
    %get3A_204 = vector.load %arg30[%get3A_202, %get3A_203] : memref<1024x4xf32, #tpu.memory_space<vmem>>, vector<1024x1xf32>
    %add3A_205 = vector.broadcast %broadcast_in_dim3A_201 : vector<1x128xf32> to vector<1024x128xf32>
    %add3A_206 = vector.broadcast %get3A_204 : vector<1024x1xf32> to vector<1024x128xf32>
    %add3A_207 = arith.addf %add3A_205, %add3A_206 : vector<1024x128xf32>
    %mul3A_208 = arith.constant 2.000000e+00 : f32
    %mul3A_209 = vector.broadcast %mul3A_208 : f32 to vector<1024x128xf32>
    %mul3A_210 = arith.mulf %mul3A_209, %dot_general3A_197 : vector<1024x128xf32>
    %sub3A_211 = arith.subf %add3A_207, %mul3A_210 : vector<1024x128xf32>
    %reduce_min3A_212 = arith.constant dense<0x7F800000> : vector<128xf32>
    %reduce_min3A_213 = vector.multi_reduction <minimumf>, %sub3A_211, %reduce_min3A_212 [0] : vector<1024x128xf32> to vector<128xf32>
    %broadcast_in_dim3A_214 = vector.shape_cast %reduce_min3A_213 : vector<128xf32> to vector<1x128xf32>
    %eq3A_215 = vector.broadcast %broadcast_in_dim3A_214 : vector<1x128xf32> to vector<1024x128xf32>
    %eq3A_216 = arith.cmpf oeq, %sub3A_211, %eq3A_215 : vector<1024x128xf32>
    %jit3A_217 = arith.constant 1024 : i32
    %broadcast_in_dim3A_218 = vector.broadcast %jit3A_217 : i32 to vector<1024x128xi32>
    %select_n3A_219 = arith.select %eq3A_216, %iota3A, %broadcast_in_dim3A_218 : vector<1024x128xi1>, vector<1024x128xi32>
    %reduce_min3A_220 = arith.constant dense<2147483647> : vector<128xi32>
    %reduce_min3A_221 = vector.multi_reduction <minsi>, %select_n3A_219, %reduce_min3A_220 [0] : vector<1024x128xi32> to vector<128xi32>
    %broadcast_in_dim3A_222 = vector.shape_cast %reduce_min3A_221 : vector<128xi32> to vector<1x128xi32>
    %eq3A_223 = vector.broadcast %broadcast_in_dim3A_222 : vector<1x128xi32> to vector<1024x128xi32>
    %eq3A_224 = arith.cmpi eq, %iota3A, %eq3A_223 : vector<1024x128xi32>
    %convert_element_type3A_225 = arith.extui %eq3A_224 : vector<1024x128xi1> to vector<1024x128xi32>
    %convert_element_type3A_226 = arith.sitofp %convert_element_type3A_225 : vector<1024x128xi32> to vector<1024x128xf32>
    %get3A_227 = arith.constant 0 : index
    %get3A_228 = arith.constant 0 : index
    %get3A_229 = vector.load %arg18[%get3A_227, %get3A_228] : memref<512x1024xf32, #tpu.memory_space<vmem>>, vector<512x1024xf32>
    %dot_general3A_230 = arith.constant dense<0.000000e+00> : vector<512x128xf32>
    %dot_general3A_231 = tpu.matmul %get3A_229, %convert_element_type3A_226, %dot_general3A_230 {dimension_numbers = #tpu.dot_dimension_numbers<[1], [0], [0], [1], [0, 0, 1, 1], [], []>, transpose_lhs_hint = false} : vector<512x1024xf32>, vector<1024x128xf32>, vector<512x128xf32> -> vector<512x128xf32>
    %sub3A_232 = arith.subf %sub3A_175, %dot_general3A_231 : vector<512x128xf32>
    %mul3A_233 = arith.mulf %sub3A_232, %sub3A_232 : vector<512x128xf32>
    %reduce_sum3A_234 = arith.constant dense<0.000000e+00> : vector<128xf32>
    %reduce_sum3A_235 = vector.multi_reduction <add>, %mul3A_233, %reduce_sum3A_234 [0] : vector<512x128xf32> to vector<128xf32>
    %broadcast_in_dim3A_236 = vector.shape_cast %reduce_sum3A_235 : vector<128xf32> to vector<1x128xf32>
    %reduce_sum3A_237 = arith.constant dense<0.000000e+00> : vector<1xf32>
    %reduce_sum3A_238 = vector.multi_reduction <add>, %broadcast_in_dim3A_236, %reduce_sum3A_237 [1] : vector<1x128xf32> to vector<1xf32>
    %broadcast_in_dim3A_239 = vector.shape_cast %reduce_sum3A_238 : vector<1xf32> to vector<1x1xf32>
    %add3A_240 = arith.addf %add3A_183, %broadcast_in_dim3A_239 : vector<1x1xf32>
    %get3A_241 = arith.constant 0 : index
    %get3A_242 = arith.constant 1 : index
    %get3A_243 = vector.load %arg31[%get3A_241, %get3A_242] : memref<1024x4xf32, #tpu.memory_space<vmem>>, vector<1024x1xf32>
    %reduce_sum3A_244 = arith.constant dense<0.000000e+00> : vector<1024xf32>
    %reduce_sum3A_245 = vector.multi_reduction <add>, %convert_element_type3A_226, %reduce_sum3A_244 [1] : vector<1024x128xf32> to vector<1024xf32>
    %broadcast_in_dim3A_246 = vector.shape_cast %reduce_sum3A_245 : vector<1024xf32> to vector<1024x1xf32>
    %add3A_247 = arith.addf %get3A_243, %broadcast_in_dim3A_246 : vector<1024x1xf32>
    %swap3A_248 = arith.constant 0 : index
    %swap3A_249 = arith.constant 1 : index
    %swap3A_250 = vector.load %arg31[%swap3A_248, %swap3A_249] : memref<1024x4xf32, #tpu.memory_space<vmem>>, vector<1024x1xf32>
    tpu.vector_store %arg31[%swap3A_248, %swap3A_249], %add3A_247 {strides = array<i32>} : memref<1024x4xf32, #tpu.memory_space<vmem>>, vector<1024x1xf32>,
    %get3A_251 = arith.constant 0 : index
    %get3A_252 = arith.constant 0 : index
    %get3A_253 = vector.load %arg15[%get3A_251, %get3A_252] : memref<1024x512xf32, #tpu.memory_space<vmem>>, vector<1024x512xf32>
    %dot_general3A_254 = arith.constant dense<0.000000e+00> : vector<1024x128xf32>
    %dot_general3A_255 = tpu.matmul %get3A_253, %sub3A_232, %dot_general3A_254 {dimension_numbers = #tpu.dot_dimension_numbers<[1], [0], [0], [1], [0, 0, 1, 1], [], []>, transpose_lhs_hint = false} : vector<1024x512xf32>, vector<512x128xf32>, vector<1024x128xf32> -> vector<1024x128xf32>
    %mul3A_256 = arith.mulf %sub3A_232, %sub3A_232 : vector<512x128xf32>
    %reduce_sum3A_257 = arith.constant dense<0.000000e+00> : vector<128xf32>
    %reduce_sum3A_258 = vector.multi_reduction <add>, %mul3A_256, %reduce_sum3A_257 [0] : vector<512x128xf32> to vector<128xf32>
    %broadcast_in_dim3A_259 = vector.shape_cast %reduce_sum3A_258 : vector<128xf32> to vector<1x128xf32>
    %get3A_260 = arith.constant 0 : index
    %get3A_261 = arith.constant 2 : index
    %get3A_262 = vector.load %arg30[%get3A_260, %get3A_261] : memref<1024x4xf32, #tpu.memory_space<vmem>>, vector<1024x1xf32>
    %add3A_263 = vector.broadcast %broadcast_in_dim3A_259 : vector<1x128xf32> to vector<1024x128xf32>
    %add3A_264 = vector.broadcast %get3A_262 : vector<1024x1xf32> to vector<1024x128xf32>
    %add3A_265 = arith.addf %add3A_263, %add3A_264 : vector<1024x128xf32>
    %mul3A_266 = arith.constant 2.000000e+00 : f32
    %mul3A_267 = vector.broadcast %mul3A_266 : f32 to vector<1024x128xf32>
    %mul3A_268 = arith.mulf %mul3A_267, %dot_general3A_255 : vector<1024x128xf32>
    %sub3A_269 = arith.subf %add3A_265, %mul3A_268 : vector<1024x128xf32>
    %reduce_min3A_270 = arith.constant dense<0x7F800000> : vector<128xf32>
    %reduce_min3A_271 = vector.multi_reduction <minimumf>, %sub3A_269, %reduce_min3A_270 [0] : vector<1024x128xf32> to vector<128xf32>
    %broadcast_in_dim3A_272 = vector.shape_cast %reduce_min3A_271 : vector<128xf32> to vector<1x128xf32>
    %eq3A_273 = vector.broadcast %broadcast_in_dim3A_272 : vector<1x128xf32> to vector<1024x128xf32>
    %eq3A_274 = arith.cmpf oeq, %sub3A_269, %eq3A_273 : vector<1024x128xf32>
    %jit3A_275 = arith.constant 1024 : i32
    %broadcast_in_dim3A_276 = vector.broadcast %jit3A_275 : i32 to vector<1024x128xi32>
    %select_n3A_277 = arith.select %eq3A_274, %iota3A, %broadcast_in_dim3A_276 : vector<1024x128xi1>, vector<1024x128xi32>
    %reduce_min3A_278 = arith.constant dense<2147483647> : vector<128xi32>
    %reduce_min3A_279 = vector.multi_reduction <minsi>, %select_n3A_277, %reduce_min3A_278 [0] : vector<1024x128xi32> to vector<128xi32>
    %broadcast_in_dim3A_280 = vector.shape_cast %reduce_min3A_279 : vector<128xi32> to vector<1x128xi32>
    %eq3A_281 = vector.broadcast %broadcast_in_dim3A_280 : vector<1x128xi32> to vector<1024x128xi32>
    %eq3A_282 = arith.cmpi eq, %iota3A, %eq3A_281 : vector<1024x128xi32>
    %convert_element_type3A_283 = arith.extui %eq3A_282 : vector<1024x128xi1> to vector<1024x128xi32>
    %convert_element_type3A_284 = arith.sitofp %convert_element_type3A_283 : vector<1024x128xi32> to vector<1024x128xf32>
    %get3A_285 = arith.constant 0 : index
    %get3A_286 = arith.constant 0 : index
    %get3A_287 = vector.load %arg19[%get3A_285, %get3A_286] : memref<512x1024xf32, #tpu.memory_space<vmem>>, vector<512x1024xf32>
    %dot_general3A_288 = arith.constant dense<0.000000e+00> : vector<512x128xf32>
    %dot_general3A_289 = tpu.matmul %get3A_287, %convert_element_type3A_284, %dot_general3A_288 {dimension_numbers = #tpu.dot_dimension_numbers<[1], [0], [0], [1], [0, 0, 1, 1], [], []>, transpose_lhs_hint = false} : vector<512x1024xf32>, vector<1024x128xf32>, vector<512x128xf32> -> vector<512x128xf32>
    %sub3A_290 = arith.subf %sub3A_232, %dot_general3A_289 : vector<512x128xf32>
    %mul3A_291 = arith.mulf %sub3A_290, %sub3A_290 : vector<512x128xf32>
    %reduce_sum3A_292 = arith.constant dense<0.000000e+00> : vector<128xf32>
    %reduce_sum3A_293 = vector.multi_reduction <add>, %mul3A_291, %reduce_sum3A_292 [0] : vector<512x128xf32> to vector<128xf32>
    %broadcast_in_dim3A_294 = vector.shape_cast %reduce_sum3A_293 : vector<128xf32> to vector<1x128xf32>
    %reduce_sum3A_295 = arith.constant dense<0.000000e+00> : vector<1xf32>
    %reduce_sum3A_296 = vector.multi_reduction <add>, %broadcast_in_dim3A_294, %reduce_sum3A_295 [1] : vector<1x128xf32> to vector<1xf32>
    %broadcast_in_dim3A_297 = vector.shape_cast %reduce_sum3A_296 : vector<1xf32> to vector<1x1xf32>
    %add3A_298 = arith.addf %add3A_240, %broadcast_in_dim3A_297 : vector<1x1xf32>
    %get3A_299 = arith.constant 0 : index
    %get3A_300 = arith.constant 2 : index
    %get3A_301 = vector.load %arg31[%get3A_299, %get3A_300] : memref<1024x4xf32, #tpu.memory_space<vmem>>, vector<1024x1xf32>
    %reduce_sum3A_302 = arith.constant dense<0.000000e+00> : vector<1024xf32>
    %reduce_sum3A_303 = vector.multi_reduction <add>, %convert_element_type3A_284, %reduce_sum3A_302 [1] : vector<1024x128xf32> to vector<1024xf32>
    %broadcast_in_dim3A_304 = vector.shape_cast %reduce_sum3A_303 : vector<1024xf32> to vector<1024x1xf32>
    %add3A_305 = arith.addf %get3A_301, %broadcast_in_dim3A_304 : vector<1024x1xf32>
    %swap3A_306 = arith.constant 0 : index
    %swap3A_307 = arith.constant 2 : index
    %swap3A_308 = vector.load %arg31[%swap3A_306, %swap3A_307] : memref<1024x4xf32, #tpu.memory_space<vmem>>, vector<1024x1xf32>
    tpu.vector_store %arg31[%swap3A_306, %swap3A_307], %add3A_305 {strides = array<i32>} : memref<1024x4xf32, #tpu.memory_space<vmem>>, vector<1024x1xf32>,
    %get3A_309 = arith.constant 0 : index
    %get3A_310 = arith.constant 0 : index
    %get3A_311 = vector.load %arg16[%get3A_309, %get3A_310] : memref<1024x512xf32, #tpu.memory_space<vmem>>, vector<1024x512xf32>
    %dot_general3A_312 = arith.constant dense<0.000000e+00> : vector<1024x128xf32>
    %dot_general3A_313 = tpu.matmul %get3A_311, %sub3A_290, %dot_general3A_312 {dimension_numbers = #tpu.dot_dimension_numbers<[1], [0], [0], [1], [0, 0, 1, 1], [], []>, transpose_lhs_hint = false} : vector<1024x512xf32>, vector<512x128xf32>, vector<1024x128xf32> -> vector<1024x128xf32>
    %mul3A_314 = arith.mulf %sub3A_290, %sub3A_290 : vector<512x128xf32>
    %reduce_sum3A_315 = arith.constant dense<0.000000e+00> : vector<128xf32>
    %reduce_sum3A_316 = vector.multi_reduction <add>, %mul3A_314, %reduce_sum3A_315 [0] : vector<512x128xf32> to vector<128xf32>
    %broadcast_in_dim3A_317 = vector.shape_cast %reduce_sum3A_316 : vector<128xf32> to vector<1x128xf32>
    %get3A_318 = arith.constant 0 : index
    %get3A_319 = arith.constant 3 : index
    %get3A_320 = vector.load %arg30[%get3A_318, %get3A_319] : memref<1024x4xf32, #tpu.memory_space<vmem>>, vector<1024x1xf32>
    %add3A_321 = vector.broadcast %broadcast_in_dim3A_317 : vector<1x128xf32> to vector<1024x128xf32>
    %add3A_322 = vector.broadcast %get3A_320 : vector<1024x1xf32> to vector<1024x128xf32>
    %add3A_323 = arith.addf %add3A_321, %add3A_322 : vector<1024x128xf32>
    %mul3A_324 = arith.constant 2.000000e+00 : f32
    %mul3A_325 = vector.broadcast %mul3A_324 : f32 to vector<1024x128xf32>
    %mul3A_326 = arith.mulf %mul3A_325, %dot_general3A_313 : vector<1024x128xf32>
    %sub3A_327 = arith.subf %add3A_323, %mul3A_326 : vector<1024x128xf32>
    %reduce_min3A_328 = arith.constant dense<0x7F800000> : vector<128xf32>
    %reduce_min3A_329 = vector.multi_reduction <minimumf>, %sub3A_327, %reduce_min3A_328 [0] : vector<1024x128xf32> to vector<128xf32>
    %broadcast_in_dim3A_330 = vector.shape_cast %reduce_min3A_329 : vector<128xf32> to vector<1x128xf32>
    %eq3A_331 = vector.broadcast %broadcast_in_dim3A_330 : vector<1x128xf32> to vector<1024x128xf32>
    %eq3A_332 = arith.cmpf oeq, %sub3A_327, %eq3A_331 : vector<1024x128xf32>
    %jit3A_333 = arith.constant 1024 : i32
    %broadcast_in_dim3A_334 = vector.broadcast %jit3A_333 : i32 to vector<1024x128xi32>
    %select_n3A_335 = arith.select %eq3A_332, %iota3A, %broadcast_in_dim3A_334 : vector<1024x128xi1>, vector<1024x128xi32>
    %reduce_min3A_336 = arith.constant dense<2147483647> : vector<128xi32>
    %reduce_min3A_337 = vector.multi_reduction <minsi>, %select_n3A_335, %reduce_min3A_336 [0] : vector<1024x128xi32> to vector<128xi32>
    %broadcast_in_dim3A_338 = vector.shape_cast %reduce_min3A_337 : vector<128xi32> to vector<1x128xi32>
    %eq3A_339 = vector.broadcast %broadcast_in_dim3A_338 : vector<1x128xi32> to vector<1024x128xi32>
    %eq3A_340 = arith.cmpi eq, %iota3A, %eq3A_339 : vector<1024x128xi32>
    %convert_element_type3A_341 = arith.extui %eq3A_340 : vector<1024x128xi1> to vector<1024x128xi32>
    %convert_element_type3A_342 = arith.sitofp %convert_element_type3A_341 : vector<1024x128xi32> to vector<1024x128xf32>
    %get3A_343 = arith.constant 0 : index
    %get3A_344 = arith.constant 0 : index
    %get3A_345 = vector.load %arg20[%get3A_343, %get3A_344] : memref<512x1024xf32, #tpu.memory_space<vmem>>, vector<512x1024xf32>
    %dot_general3A_346 = arith.constant dense<0.000000e+00> : vector<512x128xf32>
    %dot_general3A_347 = tpu.matmul %get3A_345, %convert_element_type3A_342, %dot_general3A_346 {dimension_numbers = #tpu.dot_dimension_numbers<[1], [0], [0], [1], [0, 0, 1, 1], [], []>, transpose_lhs_hint = false} : vector<512x1024xf32>, vector<1024x128xf32>, vector<512x128xf32> -> vector<512x128xf32>
    %sub3A_348 = arith.subf %sub3A_290, %dot_general3A_347 : vector<512x128xf32>
    %mul3A_349 = arith.mulf %sub3A_348, %sub3A_348 : vector<512x128xf32>
    %reduce_sum3A_350 = arith.constant dense<0.000000e+00> : vector<128xf32>
    %reduce_sum3A_351 = vector.multi_reduction <add>, %mul3A_349, %reduce_sum3A_350 [0] : vector<512x128xf32> to vector<128xf32>
    %broadcast_in_dim3A_352 = vector.shape_cast %reduce_sum3A_351 : vector<128xf32> to vector<1x128xf32>
    %reduce_sum3A_353 = arith.constant dense<0.000000e+00> : vector<1xf32>
    %reduce_sum3A_354 = vector.multi_reduction <add>, %broadcast_in_dim3A_352, %reduce_sum3A_353 [1] : vector<1x128xf32> to vector<1xf32>
    %broadcast_in_dim3A_355 = vector.shape_cast %reduce_sum3A_354 : vector<1xf32> to vector<1x1xf32>
    %add3A_356 = arith.addf %add3A_298, %broadcast_in_dim3A_355 : vector<1x1xf32>
    %get3A_357 = arith.constant 0 : index
    %get3A_358 = arith.constant 3 : index
    %get3A_359 = vector.load %arg31[%get3A_357, %get3A_358] : memref<1024x4xf32, #tpu.memory_space<vmem>>, vector<1024x1xf32>
    %reduce_sum3A_360 = arith.constant dense<0.000000e+00> : vector<1024xf32>
    %reduce_sum3A_361 = vector.multi_reduction <add>, %convert_element_type3A_342, %reduce_sum3A_360 [1] : vector<1024x128xf32> to vector<1024xf32>
    %broadcast_in_dim3A_362 = vector.shape_cast %reduce_sum3A_361 : vector<1024xf32> to vector<1024x1xf32>
    %add3A_363 = arith.addf %get3A_359, %broadcast_in_dim3A_362 : vector<1024x1xf32>
    %swap3A_364 = arith.constant 0 : index
    %swap3A_365 = arith.constant 3 : index
    %swap3A_366 = vector.load %arg31[%swap3A_364, %swap3A_365] : memref<1024x4xf32, #tpu.memory_space<vmem>>, vector<1024x1xf32>
    tpu.vector_store %arg31[%swap3A_364, %swap3A_365], %add3A_363 {strides = array<i32>} : memref<1024x4xf32, #tpu.memory_space<vmem>>, vector<1024x1xf32>,
    %get3A_367 = arith.constant 0 : index
    %get3A_368 = arith.constant 0 : index
    %get3A_369 = vector.load %arg32[%get3A_367, %get3A_368] : memref<1x1xf32, #tpu.memory_space<vmem>>, vector<1x1xf32>
    %add3A_370 = arith.addf %get3A_369, %add3A_356 : vector<1x1xf32>
    %swap3A_371 = arith.constant 0 : index
    %swap3A_372 = arith.constant 0 : index
    %swap3A_373 = vector.load %arg32[%swap3A_371, %swap3A_372] : memref<1x1xf32, #tpu.memory_space<vmem>>, vector<1x1xf32>
    tpu.vector_store %arg32[%swap3A_371, %swap3A_372], %add3A_370 {strides = array<i32>} : memref<1x1xf32, #tpu.memory_space<vmem>>, vector<1x1xf32>,
    %sub3A_374 = arith.subf %select_n3A_91, %sub3A_348 : vector<512x128xf32>
    %get3A_375 = arith.constant 0 : index
    %get3A_376 = arith.constant 0 : index
    %get3A_377 = vector.load %arg21[%get3A_375, %get3A_376] : memref<512x1024xf32, #tpu.memory_space<vmem>>, vector<512x1024xf32>
    %broadcast_in_dim3A_378 = arith.constant 0.000000e+00 : f32
    %broadcast_in_dim3A_379 = vector.broadcast %broadcast_in_dim3A_378 : f32 to vector<512x1xf32>
    %slice3A_380 = vector.extract_strided_slice %sub3A_374 {offsets = [0, 0], sizes = [512, 127], strides = [1, 1]} : vector<512x128xf32> to vector<512x127xf32>
    %concatenate3A_381 = tpu.concatenate %broadcast_in_dim3A_379, %slice3A_380 in 1 : vector<512x1xf32>, vector<512x127xf32> -> vector<512x128xf32>
    %concatenate3A_382 = tpu.concatenate %sub3A_374, %concatenate3A_381 in 0 : vector<512x128xf32>, vector<512x128xf32> -> vector<1024x128xf32>
    %dot_general3A_383 = arith.constant dense<0.000000e+00> : vector<512x128xf32>
    %dot_general3A_384 = tpu.matmul %get3A_377, %concatenate3A_382, %dot_general3A_383 {dimension_numbers = #tpu.dot_dimension_numbers<[1], [0], [0], [1], [0, 0, 1, 1], [], []>, transpose_lhs_hint = false} : vector<512x1024xf32>, vector<1024x128xf32>, vector<512x128xf32> -> vector<512x128xf32>
    %get3A_385 = arith.constant 0 : index
    %get3A_386 = arith.constant 0 : index
    %get3A_387 = vector.load %arg23[%get3A_385, %get3A_386] : memref<512x1xf32, #tpu.memory_space<vmem>>, vector<512x1xf32>
    %add3A_388 = vector.broadcast %get3A_387 : vector<512x1xf32> to vector<512x128xf32>
    %add3A_389 = arith.addf %dot_general3A_384, %add3A_388 : vector<512x128xf32>
    %ge3A_390 = arith.constant 0.000000e+00 : f32
    %ge3A_391 = vector.broadcast %ge3A_390 : f32 to vector<512x128xf32>
    %ge3A_392 = arith.cmpf oge, %add3A_389, %ge3A_391 : vector<512x128xf32>
    %mul3A_393 = arith.constant 2.000000e-01 : f32
    %mul3A_394 = vector.broadcast %mul3A_393 : f32 to vector<512x128xf32>
    %mul3A_395 = arith.mulf %mul3A_394, %add3A_389 : vector<512x128xf32>
    %select_n3A_396 = arith.select %ge3A_392, %add3A_389, %mul3A_395 : vector<512x128xi1>, vector<512x128xf32>
    %get3A_397 = arith.constant 0 : index
    %get3A_398 = arith.constant 0 : index
    %get3A_399 = vector.load %arg22[%get3A_397, %get3A_398] : memref<512x1024xf32, #tpu.memory_space<vmem>>, vector<512x1024xf32>
    %broadcast_in_dim3A_400 = arith.constant 0.000000e+00 : f32
    %broadcast_in_dim3A_401 = vector.broadcast %broadcast_in_dim3A_400 : f32 to vector<512x1xf32>
    %slice3A_402 = vector.extract_strided_slice %sub3A_374 {offsets = [0, 1], sizes = [512, 127], strides = [1, 1]} : vector<512x128xf32> to vector<512x127xf32>
    %concatenate3A_403 = tpu.concatenate %slice3A_402, %broadcast_in_dim3A_401 in 1 : vector<512x127xf32>, vector<512x1xf32> -> vector<512x128xf32>
    %concatenate3A_404 = tpu.concatenate %sub3A_374, %concatenate3A_403 in 0 : vector<512x128xf32>, vector<512x128xf32> -> vector<1024x128xf32>
    %dot_general3A_405 = arith.constant dense<0.000000e+00> : vector<512x128xf32>
    %dot_general3A_406 = tpu.matmul %get3A_399, %concatenate3A_404, %dot_general3A_405 {dimension_numbers = #tpu.dot_dimension_numbers<[1], [0], [0], [1], [0, 0, 1, 1], [], []>, transpose_lhs_hint = false} : vector<512x1024xf32>, vector<1024x128xf32>, vector<512x128xf32> -> vector<512x128xf32>
    %get3A_407 = arith.constant 0 : index
    %get3A_408 = arith.constant 0 : index
    %get3A_409 = vector.load %arg23[%get3A_407, %get3A_408] : memref<512x1xf32, #tpu.memory_space<vmem>>, vector<512x1xf32>
    %add3A_410 = vector.broadcast %get3A_409 : vector<512x1xf32> to vector<512x128xf32>
    %add3A_411 = arith.addf %dot_general3A_406, %add3A_410 : vector<512x128xf32>
    %ge3A_412 = arith.constant 0.000000e+00 : f32
    %ge3A_413 = vector.broadcast %ge3A_412 : f32 to vector<512x128xf32>
    %ge3A_414 = arith.cmpf oge, %add3A_411, %ge3A_413 : vector<512x128xf32>
    %mul3A_415 = arith.constant 2.000000e-01 : f32
    %mul3A_416 = vector.broadcast %mul3A_415 : f32 to vector<512x128xf32>
    %mul3A_417 = arith.mulf %mul3A_416, %add3A_411 : vector<512x128xf32>
    %select_n3A_418 = arith.select %ge3A_414, %add3A_411, %mul3A_417 : vector<512x128xi1>, vector<512x128xf32>
    %concatenate3A_419 = tpu.concatenate %select_n3A_396, %select_n3A_418 in 1 : vector<512x128xf32>, vector<512x128xf32> -> vector<512x256xf32>
    %broadcast_in_dim3A_420 = arith.constant 0.000000e+00 : f32
    %broadcast_in_dim3A_421 = vector.broadcast %broadcast_in_dim3A_420 : f32 to vector<512x1xf32>
    %slice3A_422 = vector.extract_strided_slice %select_n3A_418 {offsets = [0, 0], sizes = [512, 127], strides = [1, 1]} : vector<512x128xf32> to vector<512x127xf32>
    %concatenate3A_423 = tpu.concatenate %broadcast_in_dim3A_421, %slice3A_422 in 1 : vector<512x1xf32>, vector<512x127xf32> -> vector<512x128xf32>
    %concatenate3A_424 = tpu.concatenate %concatenate3A_423, %select_n3A_396 in 1 : vector<512x128xf32>, vector<512x128xf32> -> vector<512x256xf32>
    %concatenate3A_425 = tpu.concatenate %concatenate3A_419, %concatenate3A_424 in 0 : vector<512x256xf32>, vector<512x256xf32> -> vector<1024x256xf32>
    %get3A_426 = arith.constant 0 : index
    %get3A_427 = arith.constant 0 : index
    %get3A_428 = vector.load %arg24[%get3A_426, %get3A_427] : memref<263x1024xf32, #tpu.memory_space<vmem>>, vector<263x1024xf32>
    %dot_general3A_429 = arith.constant dense<0.000000e+00> : vector<263x256xf32>
    %dot_general3A_430 = tpu.matmul %get3A_428, %concatenate3A_425, %dot_general3A_429 {dimension_numbers = #tpu.dot_dimension_numbers<[1], [0], [0], [1], [0, 0, 1, 1], [], []>, transpose_lhs_hint = false} : vector<263x1024xf32>, vector<1024x256xf32>, vector<263x256xf32> -> vector<263x256xf32>
    %get3A_431 = arith.constant 0 : index
    %get3A_432 = arith.constant 0 : index
    %get3A_433 = vector.load %arg26[%get3A_431, %get3A_432] : memref<263x1xf32, #tpu.memory_space<vmem>>, vector<263x1xf32>
    %add3A_434 = vector.broadcast %get3A_433 : vector<263x1xf32> to vector<263x256xf32>
    %add3A_435 = arith.addf %dot_general3A_430, %add3A_434 : vector<263x256xf32>
    %broadcast_in_dim3A_436 = arith.constant 0.000000e+00 : f32
    %broadcast_in_dim3A_437 = vector.broadcast %broadcast_in_dim3A_436 : f32 to vector<512x1xf32>
    %slice3A_438 = vector.extract_strided_slice %select_n3A_396 {offsets = [0, 1], sizes = [512, 127], strides = [1, 1]} : vector<512x128xf32> to vector<512x127xf32>
    %concatenate3A_439 = tpu.concatenate %slice3A_438, %broadcast_in_dim3A_437 in 1 : vector<512x127xf32>, vector<512x1xf32> -> vector<512x128xf32>
    %concatenate3A_440 = tpu.concatenate %select_n3A_418, %concatenate3A_439 in 1 : vector<512x128xf32>, vector<512x128xf32> -> vector<512x256xf32>
    %concatenate3A_441 = tpu.concatenate %select_n3A_396, %select_n3A_418 in 1 : vector<512x128xf32>, vector<512x128xf32> -> vector<512x256xf32>
    %concatenate3A_442 = tpu.concatenate %concatenate3A_440, %concatenate3A_441 in 0 : vector<512x256xf32>, vector<512x256xf32> -> vector<1024x256xf32>
    %get3A_443 = arith.constant 0 : index
    %get3A_444 = arith.constant 0 : index
    %get3A_445 = vector.load %arg25[%get3A_443, %get3A_444] : memref<263x1024xf32, #tpu.memory_space<vmem>>, vector<263x1024xf32>
    %dot_general3A_446 = arith.constant dense<0.000000e+00> : vector<263x256xf32>
    %dot_general3A_447 = tpu.matmul %get3A_445, %concatenate3A_442, %dot_general3A_446 {dimension_numbers = #tpu.dot_dimension_numbers<[1], [0], [0], [1], [0, 0, 1, 1], [], []>, transpose_lhs_hint = false} : vector<263x1024xf32>, vector<1024x256xf32>, vector<263x256xf32> -> vector<263x256xf32>
    %get3A_448 = arith.constant 0 : index
    %get3A_449 = arith.constant 0 : index
    %get3A_450 = vector.load %arg26[%get3A_448, %get3A_449] : memref<263x1xf32, #tpu.memory_space<vmem>>, vector<263x1xf32>
    %add3A_451 = vector.broadcast %get3A_450 : vector<263x1xf32> to vector<263x256xf32>
    %add3A_452 = arith.addf %dot_general3A_447, %add3A_451 : vector<263x256xf32>
    %slice3A_453 = vector.extract_strided_slice %add3A_435 {offsets = [0, 0], sizes = [263, 128], strides = [1, 1]} : vector<263x256xf32> to vector<263x128xf32>
    %swap3A_454 = arith.constant 0 : index
    %swap3A_455 = arith.constant 0 : index
    %swap3A_456 = arith.constant 0 : index
    %swap3A_457 = arith.constant 0 : index
    %swap3A_458 = vector.load %arg27[%swap3A_454, %swap3A_455, %swap3A_456, %swap3A_457] : memref<1x4x263x128xf32, #tpu.memory_space<vmem>>, vector<1x1x263x128xf32>
    %swap3A_459 = vector.shape_cast %swap3A_458 : vector<1x1x263x128xf32> to vector<263x128xf32>
    %swap3A_460 = vector.shape_cast %slice3A_453 : vector<263x128xf32> to vector<1x1x263x128xf32>
    tpu.vector_store %arg27[%swap3A_454, %swap3A_455, %swap3A_456, %swap3A_457], %swap3A_460 {strides = array<i32>} : memref<1x4x263x128xf32, #tpu.memory_space<vmem>>, vector<1x1x263x128xf32>,
    %slice3A_461 = vector.extract_strided_slice %add3A_452 {offsets = [0, 0], sizes = [263, 128], strides = [1, 1]} : vector<263x256xf32> to vector<263x128xf32>
    %swap3A_462 = arith.constant 0 : index
    %swap3A_463 = arith.constant 1 : index
    %swap3A_464 = arith.constant 0 : index
    %swap3A_465 = arith.constant 0 : index
    %swap3A_466 = vector.load %arg27[%swap3A_462, %swap3A_463, %swap3A_464, %swap3A_465] : memref<1x4x263x128xf32, #tpu.memory_space<vmem>>, vector<1x1x263x128xf32>
    %swap3A_467 = vector.shape_cast %swap3A_466 : vector<1x1x263x128xf32> to vector<263x128xf32>
    %swap3A_468 = vector.shape_cast %slice3A_461 : vector<263x128xf32> to vector<1x1x263x128xf32>
    tpu.vector_store %arg27[%swap3A_462, %swap3A_463, %swap3A_464, %swap3A_465], %swap3A_468 {strides = array<i32>} : memref<1x4x263x128xf32, #tpu.memory_space<vmem>>, vector<1x1x263x128xf32>,
    %slice3A_469 = vector.extract_strided_slice %add3A_435 {offsets = [0, 128], sizes = [263, 128], strides = [1, 1]} : vector<263x256xf32> to vector<263x128xf32>
    %swap3A_470 = arith.constant 0 : index
    %swap3A_471 = arith.constant 2 : index
    %swap3A_472 = arith.constant 0 : index
    %swap3A_473 = arith.constant 0 : index
    %swap3A_474 = vector.load %arg27[%swap3A_470, %swap3A_471, %swap3A_472, %swap3A_473] : memref<1x4x263x128xf32, #tpu.memory_space<vmem>>, vector<1x1x263x128xf32>
    %swap3A_475 = vector.shape_cast %swap3A_474 : vector<1x1x263x128xf32> to vector<263x128xf32>
    %swap3A_476 = vector.shape_cast %slice3A_469 : vector<263x128xf32> to vector<1x1x263x128xf32>
    tpu.vector_store %arg27[%swap3A_470, %swap3A_471, %swap3A_472, %swap3A_473], %swap3A_476 {strides = array<i32>} : memref<1x4x263x128xf32, #tpu.memory_space<vmem>>, vector<1x1x263x128xf32>,
    %slice3A_477 = vector.extract_strided_slice %add3A_452 {offsets = [0, 128], sizes = [263, 128], strides = [1, 1]} : vector<263x256xf32> to vector<263x128xf32>
    %swap3A_478 = arith.constant 0 : index
    %swap3A_479 = arith.constant 3 : index
    %swap3A_480 = arith.constant 0 : index
    %swap3A_481 = arith.constant 0 : index
    %swap3A_482 = vector.load %arg27[%swap3A_478, %swap3A_479, %swap3A_480, %swap3A_481] : memref<1x4x263x128xf32, #tpu.memory_space<vmem>>, vector<1x1x263x128xf32>
    %swap3A_483 = vector.shape_cast %swap3A_482 : vector<1x1x263x128xf32> to vector<263x128xf32>
    %swap3A_484 = vector.shape_cast %slice3A_477 : vector<263x128xf32> to vector<1x1x263x128xf32>
    tpu.vector_store %arg27[%swap3A_478, %swap3A_479, %swap3A_480, %swap3A_481], %swap3A_484 {strides = array<i32>} : memref<1x4x263x128xf32, #tpu.memory_space<vmem>>, vector<1x1x263x128xf32>,
    %eq3A_485 = arith.constant 127 : i32
    %eq3A_486 = arith.cmpi eq, %arg0, %eq3A_485 : i32
    %convert_element_type3A_487 = arith.extui %eq3A_486 : i1 to i32
    %cond3A_488 = arith.constant 0 : i32
    %cond3A_489 = arith.cmpi ne, %convert_element_type3A_487, %cond3A_488 : i32
    scf.if %cond3A_489 {
      %get3A_490 = arith.constant 0 : index
      %get3A_491 = arith.constant 0 : index
      %get3A_492 = vector.load %arg32[%get3A_490, %get3A_491] : memref<1x1xf32, #tpu.memory_space<vmem>>, vector<1x1xf32>
      %mul3A_493 = arith.constant 1.638400e+04 : f32
      %mul3A_494 = arith.constant 5.120000e+02 : f32
      %mul3A_495 = arith.mulf %mul3A_493, %mul3A_494 : f32
      %div3A = arith.constant 2.500000e-01 : f32
      %div3A_496 = arith.divf %div3A, %mul3A_495 : f32
      %mul3A_497 = vector.broadcast %div3A_496 : f32 to vector<1x1xf32>
      %mul3A_498 = arith.mulf %get3A_492, %mul3A_497 : vector<1x1xf32>
      %swap3A_499 = arith.constant 0 : index
      %swap3A_500 = arith.constant 0 : index
      %swap3A_501 = vector.load %arg28[%swap3A_499, %swap3A_500] : memref<1x1xf32, #tpu.memory_space<vmem>>, vector<1x1xf32>
      tpu.vector_store %arg28[%swap3A_499, %swap3A_500], %mul3A_498 {strides = array<i32>} : memref<1x1xf32, #tpu.memory_space<vmem>>, vector<1x1xf32>,
      %get3A_502 = arith.constant 0 : index
      %get3A_503 = arith.constant 0 : index
      %get3A_504 = vector.load %arg31[%get3A_502, %get3A_503] : memref<1024x4xf32, #tpu.memory_space<vmem>>, vector<1024x4xf32>
      %div3A_505 = arith.constant 1.000000e+00 : f32
      %div3A_506 = arith.constant 1.638400e+04 : f32
      %div3A_507 = arith.divf %div3A_505, %div3A_506 : f32
      %mul3A_508 = vector.broadcast %div3A_507 : f32 to vector<1024x4xf32>
      %mul3A_509 = arith.mulf %get3A_504, %mul3A_508 : vector<1024x4xf32>
      %add3A_510 = arith.constant 1.000000e-10 : f32
      %add3A_511 = vector.broadcast %add3A_510 : f32 to vector<1024x4xf32>
      %add3A_512 = arith.addf %mul3A_509, %add3A_511 : vector<1024x4xf32>
      %log3A = math.log %add3A_512 : vector<1024x4xf32>
      %mul3A_513 = arith.mulf %mul3A_509, %log3A : vector<1024x4xf32>
      %reduce_sum3A_514 = arith.constant dense<0.000000e+00> : vector<4xf32>
      %reduce_sum3A_515 = vector.multi_reduction <add>, %mul3A_513, %reduce_sum3A_514 [0] : vector<1024x4xf32> to vector<4xf32>
      %broadcast_in_dim3A_516 = vector.shape_cast %reduce_sum3A_515 : vector<4xf32> to vector<1x4xf32>
      %neg3A = arith.constant 0.000000e+00 : f32
      %neg3A_517 = vector.broadcast %neg3A : f32 to vector<1x4xf32>
      %neg3A_518 = arith.subf %neg3A_517, %broadcast_in_dim3A_516 : vector<1x4xf32>
      %exp3A = math.exp %neg3A_518 : vector<1x4xf32>
      %reduce_sum3A_519 = arith.constant dense<0.000000e+00> : vector<1xf32>
      %reduce_sum3A_520 = vector.multi_reduction <add>, %exp3A, %reduce_sum3A_519 [1] : vector<1x4xf32> to vector<1xf32>
      %broadcast_in_dim3A_521 = vector.shape_cast %reduce_sum3A_520 : vector<1xf32> to vector<1x1xf32>
      %mul3A_522 = arith.constant 2.500000e-01 : f32
      %mul3A_523 = vector.broadcast %mul3A_522 : f32 to vector<1x1xf32>
      %mul3A_524 = arith.mulf %broadcast_in_dim3A_521, %mul3A_523 : vector<1x1xf32>
      %swap3A_525 = arith.constant 0 : index
      %swap3A_526 = arith.constant 0 : index
      %swap3A_527 = vector.load %arg29[%swap3A_525, %swap3A_526] : memref<1x1xf32, #tpu.memory_space<vmem>>, vector<1x1xf32>
      tpu.vector_store %arg29[%swap3A_525, %swap3A_526], %mul3A_524 {strides = array<i32>} : memref<1x1xf32, #tpu.memory_space<vmem>>, vector<1x1xf32>,
    } else {
    }
    return
  }
  func.func @transform_0(%arg0: i32) -> (i32, i32, i32, i32) {
    %c0_i32 = arith.constant 0 : i32
    %c0_i32_0 = arith.constant 0 : i32
    %c0_i32_1 = arith.constant 0 : i32
    %c0_i32_2 = arith.constant 0 : i32
    return %arg0, %c0_i32, %c0_i32_0, %c0_i32_1 : i32, i32, i32, i32
  }
  func.func @transform_1(%arg0: i32) -> (i32, i32) {
    %c0_i32 = arith.constant 0 : i32
    %c0_i32_0 = arith.constant 0 : i32
    %c0_i32_1 = arith.constant 0 : i32
    return %c0_i32, %c0_i32_0 : i32, i32
  }
  func.func @transform_2(%arg0: i32) -> (i32, i32) {
    %c0_i32 = arith.constant 0 : i32
    %c0_i32_0 = arith.constant 0 : i32
    %c0_i32_1 = arith.constant 0 : i32
    return %c0_i32, %c0_i32_0 : i32, i32
  }
  func.func @transform_3(%arg0: i32) -> (i32, i32) {
    %c0_i32 = arith.constant 0 : i32
    %c0_i32_0 = arith.constant 0 : i32
    %c0_i32_1 = arith.constant 0 : i32
    return %c0_i32, %c0_i32_0 : i32, i32
  }
  func.func @transform_4(%arg0: i32) -> (i32, i32) {
    %c0_i32 = arith.constant 0 : i32
    %c0_i32_0 = arith.constant 0 : i32
    %c0_i32_1 = arith.constant 0 : i32
    return %c0_i32, %c0_i32_0 : i32, i32
  }
  func.func @transform_5(%arg0: i32) -> (i32, i32) {
    %c0_i32 = arith.constant 0 : i32
    %c0_i32_0 = arith.constant 0 : i32
    %c0_i32_1 = arith.constant 0 : i32
    return %c0_i32, %c0_i32_0 : i32, i32
  }
  func.func @transform_6(%arg0: i32) -> (i32, i32) {
    %c0_i32 = arith.constant 0 : i32
    %c0_i32_0 = arith.constant 0 : i32
    %c0_i32_1 = arith.constant 0 : i32
    return %c0_i32, %c0_i32_0 : i32, i32
  }
  func.func @transform_7(%arg0: i32) -> (i32, i32) {
    %c0_i32 = arith.constant 0 : i32
    %c0_i32_0 = arith.constant 0 : i32
    %c0_i32_1 = arith.constant 0 : i32
    return %c0_i32, %c0_i32_0 : i32, i32
  }
  func.func @transform_8(%arg0: i32) -> (i32, i32) {
    %c0_i32 = arith.constant 0 : i32
    %c0_i32_0 = arith.constant 0 : i32
    %c0_i32_1 = arith.constant 0 : i32
    return %c0_i32, %c0_i32_0 : i32, i32
  }
  func.func @transform_9(%arg0: i32) -> (i32, i32) {
    %c0_i32 = arith.constant 0 : i32
    %c0_i32_0 = arith.constant 0 : i32
    %c0_i32_1 = arith.constant 0 : i32
    return %c0_i32, %c0_i32_0 : i32, i32
  }
  func.func @transform_10(%arg0: i32) -> (i32, i32) {
    %c0_i32 = arith.constant 0 : i32
    %c0_i32_0 = arith.constant 0 : i32
    %c0_i32_1 = arith.constant 0 : i32
    return %c0_i32, %c0_i32_0 : i32, i32
  }
  func.func @transform_11(%arg0: i32) -> (i32, i32) {
    %c0_i32 = arith.constant 0 : i32
    %c0_i32_0 = arith.constant 0 : i32
    %c0_i32_1 = arith.constant 0 : i32
    return %c0_i32, %c0_i32_0 : i32, i32
  }
  func.func @transform_12(%arg0: i32) -> (i32, i32) {
    %c0_i32 = arith.constant 0 : i32
    %c0_i32_0 = arith.constant 0 : i32
    %c0_i32_1 = arith.constant 0 : i32
    return %c0_i32, %c0_i32_0 : i32, i32
  }
  func.func @transform_13(%arg0: i32) -> (i32, i32) {
    %c0_i32 = arith.constant 0 : i32
    %c0_i32_0 = arith.constant 0 : i32
    %c0_i32_1 = arith.constant 0 : i32
    return %c0_i32, %c0_i32_0 : i32, i32
  }
  func.func @transform_14(%arg0: i32) -> (i32, i32) {
    %c0_i32 = arith.constant 0 : i32
    %c0_i32_0 = arith.constant 0 : i32
    %c0_i32_1 = arith.constant 0 : i32
    return %c0_i32, %c0_i32_0 : i32, i32
  }
  func.func @transform_15(%arg0: i32) -> (i32, i32) {
    %c0_i32 = arith.constant 0 : i32
    %c0_i32_0 = arith.constant 0 : i32
    %c0_i32_1 = arith.constant 0 : i32
    return %c0_i32, %c0_i32_0 : i32, i32
  }
  func.func @transform_16(%arg0: i32) -> (i32, i32) {
    %c0_i32 = arith.constant 0 : i32
    %c0_i32_0 = arith.constant 0 : i32
    %c0_i32_1 = arith.constant 0 : i32
    return %c0_i32, %c0_i32_0 : i32, i32
  }
  func.func @transform_17(%arg0: i32) -> (i32, i32) {
    %c0_i32 = arith.constant 0 : i32
    %c0_i32_0 = arith.constant 0 : i32
    %c0_i32_1 = arith.constant 0 : i32
    return %c0_i32, %c0_i32_0 : i32, i32
  }
  func.func @transform_18(%arg0: i32) -> (i32, i32) {
    %c0_i32 = arith.constant 0 : i32
    %c0_i32_0 = arith.constant 0 : i32
    %c0_i32_1 = arith.constant 0 : i32
    return %c0_i32, %c0_i32_0 : i32, i32
  }
  func.func @transform_19(%arg0: i32) -> (i32, i32) {
    %c0_i32 = arith.constant 0 : i32
    %c0_i32_0 = arith.constant 0 : i32
    %c0_i32_1 = arith.constant 0 : i32
    return %c0_i32, %c0_i32_0 : i32, i32
  }
  func.func @transform_20(%arg0: i32) -> (i32, i32) {
    %c0_i32 = arith.constant 0 : i32
    %c0_i32_0 = arith.constant 0 : i32
    %c0_i32_1 = arith.constant 0 : i32
    return %c0_i32, %c0_i32_0 : i32, i32
  }
  func.func @transform_21(%arg0: i32) -> (i32, i32) {
    %c0_i32 = arith.constant 0 : i32
    %c0_i32_0 = arith.constant 0 : i32
    %c0_i32_1 = arith.constant 0 : i32
    return %c0_i32, %c0_i32_0 : i32, i32
  }
  func.func @transform_22(%arg0: i32) -> (i32, i32) {
    %c0_i32 = arith.constant 0 : i32
    %c0_i32_0 = arith.constant 0 : i32
    %c0_i32_1 = arith.constant 0 : i32
    return %c0_i32, %c0_i32_0 : i32, i32
  }
  func.func @transform_23(%arg0: i32) -> (i32, i32) {
    %c0_i32 = arith.constant 0 : i32
    %c0_i32_0 = arith.constant 0 : i32
    %c0_i32_1 = arith.constant 0 : i32
    return %c0_i32, %c0_i32_0 : i32, i32
  }
  func.func @transform_24(%arg0: i32) -> (i32, i32) {
    %c0_i32 = arith.constant 0 : i32
    %c0_i32_0 = arith.constant 0 : i32
    %c0_i32_1 = arith.constant 0 : i32
    return %c0_i32, %c0_i32_0 : i32, i32
  }
  func.func @transform_25(%arg0: i32) -> (i32, i32) {
    %c0_i32 = arith.constant 0 : i32
    %c0_i32_0 = arith.constant 0 : i32
    %c0_i32_1 = arith.constant 0 : i32
    return %c0_i32, %c0_i32_0 : i32, i32
  }
  func.func @transform_26(%arg0: i32) -> (i32, i32, i32, i32) {
    %c0_i32 = arith.constant 0 : i32
    %c0_i32_0 = arith.constant 0 : i32
    %c0_i32_1 = arith.constant 0 : i32
    %c0_i32_2 = arith.constant 0 : i32
    return %arg0, %c0_i32, %c0_i32_0, %c0_i32_1 : i32, i32, i32, i32
  }
  func.func @transform_27(%arg0: i32) -> (i32, i32) {
    %c0_i32 = arith.constant 0 : i32
    %c0_i32_0 = arith.constant 0 : i32
    %c0_i32_1 = arith.constant 0 : i32
    return %c0_i32, %c0_i32_0 : i32, i32
  }
  func.func @transform_28(%arg0: i32) -> (i32, i32) {
    %c0_i32 = arith.constant 0 : i32
    %c0_i32_0 = arith.constant 0 : i32
    %c0_i32_1 = arith.constant 0 : i32
    return %c0_i32, %c0_i32_0 : i32, i32
  }
}

</mosaic_0001>

<sc_bundles>
// kernel: sparse-core-data-format-call.1.cloned.1.call-start
scs
called_computation.1_lowered:
.L_overlay_start_0:
0x0: {  	s1 =	sld [smem:$0x3FD9]  }
0x1: {  	s2 =	sld [smem:$0x3FFE];
	_ =	sdelay $0x1  }
0x2: {  	s3 =	srdreg.scid  }
0x3: {  	s0 =	sand.u32 $0x1, s3  }
0x4: {  	s17 =	sshll.u32 s0, $0xA;
	s1 =	sadd.s32 s2, s1  }
0x5: {  	s1 =	sadd.s32 s1, s17  }
0x6: {  	[smem:$0x3FB7] =	sst s1  }
0x7: {  	_ = 	snop  }
0x8: {  	(tm) =	ssettm $0x1  }
0x9: {  	s18 =	sld [smem:$0x3FFB];
	_ =	sdelay $0x3  }
0xa: {  	_ =	strace s18  }
0xb: {  	s1 =	sld [smem:$0x3FFC];
	_ =	sdelay $0x3  }
0xc: {  	_ =	strace s1  }
0xd: {  	s1 =	sld [smem:$0x3FFD];
	_ =	sdelay $0x3  }
0xe: {  	_ =	strace s1  }
0xf: {  	_ =	strace $0x8FFFFFFF  }
0x10: {  	s19 =	sld [smem:$0x3FDB];
	_ =	sdelay $0x1  }
0x11: {  	s20 =	simm.s32 $_scs_section_size  }
0x12: {  	s4 =	simm.s32 $_size__tile_overlayer_lowered;
	s5 =	simm.s32 $_tile_overlayer_lowered  }
0x13: {  	s23 =	simm.s32 $0x1BFF;
	s22 =	sshll.u32 s5, $0x1;
	s1 =	sadd.s32 s20, s19  }
0x14: {  	s6 =	simm.s32 $0x0;
	s21 =	sshll.u32 s4, $0x1;
	s4 =	sadd.s32 s22, s1  }
0x15: {  	[timem:s6], [sflag:s23] =	dma.local [hbm:s4], s21  }
0x16: {  	_ =	swait.ge [sflag:s23], s21  }
0x17: {  	s2 =	ssub.s32 $0x0, s21;
	[sflag:s23] =	ssyncset.done $0x0  }
0x18: {  	[sflag:s23] =	ssyncadd.s32 s2;
	_ =	sdelay $0x1  }
0x19: {  	s24 =	simm.s32 $0x1B8B  }
0x1a: {  	_ =	swait.ge [sflag:s24], $0x1  }
0x1b: {  	[sflag:s24] =	ssyncset.done $0x0  }
0x1c: {  	s26 =	simm.s32 $0x1B8E;
	s25 =	sld [smem:$0x3FFE];
	[sflag:s24] =	ssyncadd.s32 $0xFFFFFFFF  }
0x1d: {  	s27 =	simm.s32 $execute0_lowered;
	[smem:$0x3FD2] =	sst s26  }
0x1e: {  	s4 =	sshll.u32 s27, $0x1;
	_ =	strace $0x80000046;
	[dreg:$0x1] =	wrdreg $0xFFFFFFFF  }
0x1f: {  	s28 =	simm.s32 $_size_execute0_lowered;
	s1 =	sadd.s32 s1, s4;
	[dreg:$0x0] =	wrdreg $0x0  }
0x20: {  	s4 =	sshll.u32 s28, $0x1;
	[dreg:$0x2] =	wrdreg s1  }
0x21: {  	[dreg:$0x3] =	wrdreg s4  }
0x22: {  	[dreg:$0x4] =	wrdreg $0xC0  }
0x23: {  	_ =	task [dreg:s6], $0x5FFFF  }
0x24: {  	[dreg:$0x1] =	wrdreg $0xFFFFFFFF  }
0x25: {  	[dreg:$0x0] =	wrdreg $0x60  }
0x26: {  	[dreg:$0x2] =	wrdreg s25  }
0x27: {  	[dreg:$0x3] =	wrdreg $0x9  }
0x28: {  	_ =	task.clear_ibuf [dreg:s6], $0x4FFFF;
	_ =	strace $0x90000046  }
0x29: {  	s29 =	simm.s32 $0x9;
	_ =	strace $0x80000048  }
0x2a: {  	_ =	swait.ge [sflag:s29], $0x1  }
0x2b: {  	[sflag:s29] =	ssyncadd.s32 $0xFFFFFFFF  }
0x2c: {  	_ =	strace $0x90000048  }
0x2d: {  	_ =	sfence  }
0x2e: {  	s30 =	sld [smem:$0x0];
	_ =	sdelay $0x2  }
0x2f: {  	s31 =	sshll.u32 s3, $0xD;
	s3 =	sshrl.u32 s3, $0x2  }
0x30: {  	s2 =	sand.u32 $0x4000, s31;
	s1 =	sadd.s32 s3, s30  }
0x31: {  	s0 =	sor.u32 s2, s0;
	s1 =	sshll.u32 s1, $0x11  }
0x32: {  	s0 =	sor.u32 s1, s0  }
0x33: {  	s0 =	sadd.s32 $0x8F2B, s0  }
0x34: {  	[sflag:s0] =	ssyncadd.remote.s32 $0x1  }
0x35: {  	_ =	sfence.sel $0xFFFF  }
0x36: {  	[dreg:$0x0] =	wrdreg $0xFFFFFFFF;
	(pc) =	sbr.abs _section_cstart, $3  }
0x37: {  	[dreg:$0x1] =	wrdreg $0xFFFFFFFF  }
0x38: {  	_ =	task.clear_ibuf [dreg:s6], $0x2FFFF;
	_ =	strace $0x9FFFFFFF  }
0x39: {  	(tm) =	ssettm $0x7FFFFFFF  }
tec
execute0_lowered:
.L_overlay_start_1:
0x0: {  	(tag) =	ssettag $0x1  }
0x1: {  	s0 =	srdreg.scid  }
0x2: {  	s3 =	rddreg [dreg:$0x0];
	s1 =	stileid.u32  }
0x3: {  	s6 =	simm.s32 $0x1;
	s7 =	simm.s32 $0x20;
	s8 =	simm.s32 $0x2  }
0x4: {  	s16 =	simm.s32 $0x0;
	s9 =	simm.s32 $0x21000;
	s15 =	simm.s32 $0x0  }
0x5: {  	s14 =	simm.s32 $0x0;
	s12 =	simm.s32 $0x0;
	s2 =	sshll.u32 s0, $0x4  }
0x6: {  	s13 =	simm.s32 $0x0;
	s0 =	rddreg [dreg:$0x1];
	s4 =	sand.u32 $0x10, s2  }
.Ltmp0:
0x7: {  	_ =	strace $0x80000047;
	s5 =	sor.u32 s1, s4;
	(pc) =	sbr.rel .LBB1_1-.Ltmp0, $4  }
0x8: {  	s2 =	sadd.s32 $0x53B000, s3;
	s3 =	sadd.s32 $0x4800, s3;
	s5 =	sshrl.u32 s5, $0x2  }
0x9: {  	[sflag:s6] =	ssyncpa.u1 $0x0;
	s4 =	sand.u32 $0x3, s1;
	p0 =	seq.s32 s5, $0x7  }
0xa: {  	[sflag:s8] =	ssyncpa.u1 $0x0;
	s11 =	smov.u32 s4;
	s7 =	simm.s32 @!p0 $0x21  }
0xb: {  	s10 =	smov.u32 s5;
	p0 =	por $0x0, $0x0;
	s8 =	sadd.s32 $0x1, s7  }
.LBB1_4:
0xc: {  	s16 =	sshll.u32 s16, $0x7;
	s22 =	sshll.u32 s14, $0x3;
	v5 =	vld [tilespmem:s20+$0xFFFFFFD0];
	[tilespmem:s19+$0x2040 ss:$0x81] =	vst.msk $0xffff, v4  }
0xd: {  	v58 =	vld [tilespmem:s20+$0xFFFFFFE0];
	[tilespmem:s19+$0x2850 ss:$0x81] =	vst.msk $0xffff, v3;
	s23 =	sand.u32 $0xFFFFFC00, s16;
	s22 =	sand.u32 $0xFFFFFC00, s22  }
0xe: {  	s21 =	sshra.s32 s21, $0x2;
	v59 =	vld [tilespmem:s20+$0xFFFFFFF0];
	[tilespmem:s19+$0x3060 ss:$0x81] =	vst.msk $0xffff, v2;
	s16 =	sand.u32 $0x380, s16;
	s22 =	sadd.s32 s22, s23  }
0xf: {  	v60 =	vld [tilespmem:s20+$0x0];
	[tilespmem:s19+$0x0 ss:$0x81] =	vst.msk $0xffff, v0;
	s18 =	sadd.s32 s21, s18;
	s16 =	sor.u32 s16, s22  }
0x10: {  	v61 =	vld [tilespmem:s20+$0x10];
	[tilespmem:s18+$0x3870 ss:$0x81] =	vst.msk $0xffff, v1;
	s16 =	sshrl.u32 s16, $0x7  }
0x11: {  	v62 =	vld [tilespmem:s20+$0x20];
	s29 =	smulhi.u32 $0xF83E10, s16;
	[tilespmem:s18+$0x810 ss:$0x81] =	vst.msk $0xffff, v5  }
0x12: {  	v63 =	vld [tilespmem:s20+$0xFFFFFFC0];
	s15 =	smul.u32 $0x1080, s15;
	[tilespmem:s18+$0x1020 ss:$0x81] =	vst.msk $0xffff, v58  }
0x13: {  	[tilespmem:s18+$0x1830 ss:$0x81] =	vst.msk $0xffff, v59;
	s19 =	smul.u32 $0x108, s29  }
0x14: {  	s30 =	sshrl.u32 s14, $0x3;
	s31 =	sand.u32 $0x7, s14;
	[tilespmem:s18+$0x2040 ss:$0x81] =	vst.msk $0xffff, v60  }
0x15: {  	s15 =	sadd.s32 s3, s15;
	[tilespmem:s18+$0x2850 ss:$0x81] =	vst.msk $0xffff, v61;
	s16 =	ssub.s32 s16, s19;
	s19 =	sand.u32 $0xF, s30  }
0x16: {  	s14 =	sshll.u32 s31, $0x12;
	[tilespmem:s18+$0x3060 ss:$0x81] =	vst.msk $0xffff, v62;
	s16 =	sshll.u32 s16, $0x4;
	s15 =	sadd.s32 s19, s15  }
0x17: {  	s14 =	sor.u32 $0x80, s14;
	[tilespmem:s18+$0x0 ss:$0x81] =	vst.msk $0xffff, v63;
	s15 =	sadd.s32 s16, s15  }
0x18: {  	[hbm4b:s15+s14] =	stream.strided.scatter [tilespmem:s17], [sflag:$0x2], $0x4000, s9, s14, $0x20;
	[tilespmem:$0x10100] =	vst v63  }
.LBB1_5:
0x19: {  	s17 =	sadd.s32 $0x8, s10  }
0x1a: {  	s14 =	sadd.s32 $0x4, s11;
	s18 =	smov.u32 s11;
	p2 =	sgt.s32 s17, $0x106  }
0x1b: {  	s18 =	smov.u32 @p2 s14  }
0x1c: {  	s20 =	smov.u32 s12;
	s14 =	sadd.s32 $0x80, s12;
	p3 =	sgt.s32 s18, $0x3  }
0x1d: {  	s20 =	smov.u32 @p3 s14  }
0x1e: {  	s17 =	smov.u32 @p2 s5;
	p2 =	sgt.s32 s20, $0x7F  }
0x1f: {  	p1 =	slt.u32 s13, $0x2;
	s20 =	simm.s32 @p2 $0x0;
	p2 =	sne.s32 s13, s8  }
.Ltmp1:
0x20: {  	s19 =	simm.s32 @!p1 $0x2;
	(pc) =	sbr.rel @!p2 .LBB1_6-.Ltmp1, $4  }
0x21: {  	s16 =	smov.u32 s10;
	s15 =	smov.u32 s11;
	_ =	swait.ge @!p1 [sflag:s19], $0x4000  }
0x22: {  	p0 =	por !p0, !p0;
	[sflag:s19] =	ssyncset.done @!p1 $0x0;
	s10 =	smov.u32 s17  }
0x23: {  	s18 =	smov.u32 @p3 s4;
	s14 =	smov.u32 s12;
	[sflag:s19] =	ssyncadd.s32 @!p1 $0xFFFFC000  }
0x24: {  	s11 =	smov.u32 s18;
	s13 =	sadd.s32 $0x1, s13;
	s12 =	smov.u32 s20  }
.LBB1_1:
0x25: {  	p1 =	sge.u32 s13, s7  }
0x26: {  	s17 =	sand.u32 @!p1 $0x1FFFFFF, s10;
	s19 =	smul.u32 @!p1 $0x4200, s12  }
0x27: {  	s18 =	smulhi.u32 @!p1 $0xF83E10, s17  }
0x28: {  	s21 =	smul.u32 @!p1 $0x1080, s11  }
0x29: {  	s18 =	smul.u32 @!p1 $0x108, s18  }
0x2a: {  	s31 =	sadd.s32 $0xFFFFFFFF, s13;
	s19 =	sadd.s32 @!p1 s2, s19  }
0x2b: {  	s20 =	sxor.u32 @!p1 $0xFFFFFFFF, s13;
	s19 =	sadd.s32 @!p1 s21, s19;
	s17 =	ssub.s32 @!p1 s17, s18  }
0x2c: {  	s18 =	sshll.u32 @!p1 s20, $0xE;
	s20 =	simm.s32 @!p1 $0x21000;
	s17 =	sshll.u32 @!p1 s17, $0x4  }
0x2d: {  	s18 =	sand.u32 @!p1 $0x4000, s18;
	s17 =	sadd.s32 @!p1 s17, s19;
	s19 =	simm.s32 @!p1 $0x80  }
0x2e: {  	[tilespmem:s18], [sflag:$0x1] =	stream.strided.gather @!p1 [hbm4b:s17+s19], $0x4000, s20, s19, $0x38;
	[tilespmem:$0x10100] =	vst v63  }
0x2f: {  	p1 =	sge.u32 s31, s7  }
.Ltmp2:
0x30: {  	_ = 	snop;
	(pc) =	sbr.rel @p1 .LBB1_5-.Ltmp2, $1  }
0x31: {  	_ =	sdelay $0x3  }
0x32: {  	s17 =	simm.s32 $0x1  }
0x33: {  	_ =	swait.ge [sflag:s6], $0x4000;
	s17 =	simm.s32 @!p0 $0x0  }
0x34: {  	[sflag:s6] =	ssyncset.done $0x0;
	s18 =	sshll.u32 s17, $0xE  }
0x35: {  	[sflag:s6] =	ssyncadd.s32 $0xFFFFC000;
	s20 =	sor.u32 $0x40, s18  }
0x36: {  	s17 =	smul.u32 $0x10200, s17;
	v0 =	vld [tilespmem:s20+$0x30]  }
0x37: {  	v1 =	vld [tilespmem:s20+$0xFFFFFFD0]  }
0x38: {  	s17 =	sshrl.u32 s17, $0x2;
	v5 =	vld [tilespmem:s20+$0xFFFFFFE0]  }
0x39: {  	v6 =	vld [tilespmem:s20+$0xFFFFFFF0];
	s18 =	sor.u32 $0x8000, s17  }
0x3a: {  	s31 =	sand.u32 $0x1, s13;
	v4 =	vld [tilespmem:s20+$0x0];
	s19 =	sadd.s32 $0x0, s18  }
0x3b: {  	v3 =	vld [tilespmem:s20+$0x10];
	s17 =	smul.u32 $0x10200, s31;
	[tilespmem:s19+$0x3870 ss:$0x81] =	vst.msk $0xffff, v0  }
0x3c: {  	v2 =	vld [tilespmem:s20+$0x20];
	[tilespmem:s19+$0x810 ss:$0x81] =	vst.msk $0xffff, v1  }
0x3d: {  	s17 =	sshrl.u32 s17, $0x2;
	v0 =	vld [tilespmem:s20+$0xFFFFFFC0];
	[tilespmem:s19+$0x1020 ss:$0x81] =	vst.msk $0xffff, v5;
	s20 =	sadd.s32 $0x80, s20  }
0x3e: {  	s21 =	simm.s32 $0x4;
	s22 =	simm.s32 $0x8;
	s17 =	sor.u32 $0x8000, s17;
	[tilespmem:s19+$0x1830 ss:$0x81] =	vst.msk $0xffff, v6;
	v1 =	vld [tilespmem:s20+$0x30]  }
.LBB1_3:
0x3f: {  	p1 =	sne.s32 s22, $0x1FC;
	v5 =	vld [tilespmem:s20+$0xFFFFFFD0];
	[tilespmem:s19+$0x2040 ss:$0x81] =	vst.msk $0xffff, v4  }
0x40: {  	v6 =	vld [tilespmem:s20+$0xFFFFFFE0];
	[tilespmem:s19+$0x2850 ss:$0x81] =	vst.msk $0xffff, v3  }
0x41: {  	s23 =	sshra.s32 s21, $0x2;
	s21 =	smov.u32 s22;
	v7 =	vld [tilespmem:s20+$0xFFFFFFF0];
	[tilespmem:s19+$0x3060 ss:$0x81] =	vst.msk $0xffff, v2  }
.Ltmp3:
0x42: {  	v4 =	vld [tilespmem:s20+$0x0];
	[tilespmem:s19+$0x0 ss:$0x81] =	vst.msk $0xffff, v0;
	s19 =	sadd.s32 s23, s18;
	(pc) =	sbr.rel @p1 .LBB1_3-.Ltmp3, $4  }
0x43: {  	v3 =	vld [tilespmem:s20+$0x10];
	[tilespmem:s19+$0x3870 ss:$0x81] =	vst.msk $0xffff, v1  }
0x44: {  	[tilespmem:s19+$0x810 ss:$0x81] =	vst.msk $0xffff, v5;
	v2 =	vld [tilespmem:s20+$0x20]  }
0x45: {  	v0 =	vld [tilespmem:s20+$0xFFFFFFC0];
	[tilespmem:s19+$0x1020 ss:$0x81] =	vst.msk $0xffff, v6;
	s20 =	sadd.s32 $0x80, s20  }
0x46: {  	s22 =	sadd.s32 $0x4, s22;
	v1 =	vld [tilespmem:s20+$0x30];
	[tilespmem:s19+$0x1830 ss:$0x81] =	vst.msk $0xffff, v7  }
.Ltmp4:
0x47: {  	_ = 	snop;
	(pc) =	sbr.rel .LBB1_4-.Ltmp4, $1  }
0x48: {  	_ =	sdelay $0x3  }
.LBB1_6:
0x49: {  	_ =	sfence.sel $0x180000  }
0x4a: {  	s2 =	simm.s32 $0x1;
	[bflag:$0x0] =	sbarrier.arrive $0xFFFF  }
0x4b: {  	s31 =	simm.s32 $0x2;
	[sflag:s2] =	ssyncpa.u1 $0x1  }
0x4c: {  	[sflag:s31] =	ssyncpa.u1 $0x1  }
0x4d: {  	p0 =	sne.s32 s1, $0x0;
	_ =	strace $0x90000047  }
0x4e: {  	s0 =	sadd.s32 @!p0 $0x100000, s0;
	[bflag:$0x2] =	sbarrier.arrive $0xFFFF  }
0x4f: {  	[sflag:s0] =	ssyncadd.tile.s32 @!p0 $0x1;
	_ =	shalt  }
.Lfunc_end1:
_tile_overlayer_lowered:
.L_overlay_start_2:
0x50: {  	(tag) =	ssettag $0x2  }
0x51: {  	s0 =	rddreg [dreg:$0x0];
	s2 =	stileid.u32  }
0x52: {  	s1 =	rddreg [dreg:$0x1];
	p0 =	sne.s32 s2, $0x0  }
0x53: {  	s3 =	rddreg [dreg:$0x2];
	[bflag:$0x3] =	sbarrier.arrive $0xFFFF;
	s2 =	simm.s32 @!p0 $0x1C01  }
0x54: {  	[timem:s3], [sflag:s2] =	dma.local @!p0 [hbm:s0], s1  }
0x55: {  	s0 =	simm.s32 @!p0 $0x1  }
0x56: {  	_ =	swait.ge @!p0 [sflag:s0], s1  }
0x57: {  	s1 =	ssub.s32 @!p0 $0x0, s1;
	[sflag:s0] =	ssyncset.done @!p0 $0x0  }
0x58: {  	[sflag:s0] =	ssyncadd.s32 @!p0 s1  }
0x59: {  	[bflag:$0x3] =	sbarrier.arrive $0xFFFF  }
0x5a: {  	_ =	shalt  }

// kernel: sparse-core-data-format-call.cloned.1.call-start
scs
called_computation_lowered:
.L_overlay_start_0:
0x0: {  	s2 =	sld [smem:$0x3FD9]  }
0x1: {  	s3 =	sld [smem:$0x3FFE];
	_ =	sdelay $0x1  }
0x2: {  	s1 =	srdreg.scid  }
0x3: {  	s0 =	sand.u32 $0x1, s1  }
0x4: {  	s15 =	sshll.u32 s0, $0xA;
	s2 =	sadd.s32 s3, s2  }
0x5: {  	s2 =	sadd.s32 s2, s15  }
0x6: {  	[smem:$0x3FB7] =	sst s2  }
0x7: {  	_ = 	snop  }
0x8: {  	s2 =	sld [smem:$0x3FD0];
	_ =	sdelay $0x2  }
0x9: {  	s16 =	simm.s32 $0xA;
	s4 =	simm.s32 $0x10  }
0xa: {  	[smem:s4], [sflag:s16] =	dma.local [hbm:s2], $0x1  }
0xb: {  	_ =	swait.eq [sflag:s16], $0x1  }
0xc: {  	[sflag:s16] =	ssyncset.done $0x0  }
0xd: {  	[sflag:s16] =	ssyncadd.s32 $0xFFFFFFFF  }
0xe: {  	s17 =	sld [smem:$0x10];
	(tm) =	ssettm $0x1  }
0xf: {  	s18 =	sld [smem:$0x3FFB];
	_ =	sdelay $0x3  }
0x10: {  	_ =	strace s18  }
0x11: {  	s3 =	sld [smem:$0x3FFC];
	_ =	sdelay $0x3  }
0x12: {  	_ =	strace s3  }
0x13: {  	s3 =	sld [smem:$0x3FFD];
	_ =	sdelay $0x3  }
0x14: {  	_ =	strace s3  }
0x15: {  	_ =	strace $0x8FFFFFFF  }
0x16: {  	s19 =	sld [smem:$0x3FDB];
	_ =	sdelay $0x1  }
0x17: {  	s20 =	simm.s32 $_scs_section_size  }
0x18: {  	s5 =	simm.s32 $_size__tile_overlayer_lowered;
	s6 =	simm.s32 $_tile_overlayer_lowered  }
0x19: {  	s23 =	simm.s32 $0x1BFF;
	s22 =	sshll.u32 s6, $0x1;
	s3 =	sadd.s32 s20, s19  }
0x1a: {  	s7 =	simm.s32 $0x0;
	s21 =	sshll.u32 s5, $0x1;
	s5 =	sadd.s32 s22, s3  }
0x1b: {  	[timem:s7], [sflag:s23] =	dma.local [hbm:s5], s21  }
0x1c: {  	_ =	swait.ge [sflag:s23], s21  }
0x1d: {  	s4 =	ssub.s32 $0x0, s21;
	[sflag:s23] =	ssyncset.done $0x0  }
0x1e: {  	[sflag:s23] =	ssyncadd.s32 s4;
	_ =	sdelay $0x1  }
0x1f: {  	s24 =	simm.s32 $0x1B8B  }
0x20: {  	_ =	swait.ge [sflag:s24], $0x1  }
0x21: {  	[sflag:s24] =	ssyncset.done $0x0  }
0x22: {  	s26 =	simm.s32 $0x1B8E;
	s25 =	sld [smem:$0x3FFE];
	[sflag:s24] =	ssyncadd.s32 $0xFFFFFFFF  }
0x23: {  	s27 =	simm.s32 $execute0_lowered;
	[smem:$0x3FD2] =	sst s26  }
0x24: {  	s5 =	sshll.u32 s27, $0x1;
	_ =	strace $0x80000049;
	[dreg:$0x1] =	wrdreg $0xFFFFFFFF  }
0x25: {  	s28 =	simm.s32 $_size_execute0_lowered;
	s3 =	sadd.s32 s3, s5;
	[dreg:$0x0] =	wrdreg $0x0  }
0x26: {  	s5 =	sshll.u32 s28, $0x1;
	[dreg:$0x2] =	wrdreg s3  }
0x27: {  	[dreg:$0x3] =	wrdreg s5  }
0x28: {  	[dreg:$0x4] =	wrdreg $0xC0  }
0x29: {  	_ =	task [dreg:s7], $0x5FFFF  }
0x2a: {  	[dreg:$0x1] =	wrdreg $0xFFFFFFFF  }
0x2b: {  	[dreg:$0x0] =	wrdreg $0x60  }
0x2c: {  	[dreg:$0x2] =	wrdreg s25  }
0x2d: {  	[dreg:$0x3] =	wrdreg s17  }
0x2e: {  	[dreg:$0x4] =	wrdreg $0x9  }
0x2f: {  	_ =	task.clear_ibuf [dreg:s7], $0x5FFFF;
	_ =	strace $0x90000049  }
0x30: {  	s29 =	simm.s32 $0x9;
	_ =	strace $0x8000004B  }
0x31: {  	_ =	swait.ge [sflag:s29], $0x1  }
0x32: {  	[sflag:s29] =	ssyncadd.s32 $0xFFFFFFFF  }
0x33: {  	_ =	strace $0x9000004B  }
0x34: {  	_ =	sfence  }
0x35: {  	s30 =	sld [smem:$0x0];
	_ =	sdelay $0x2  }
0x36: {  	s31 =	sshll.u32 s1, $0xD;
	s1 =	sshrl.u32 s1, $0x2  }
0x37: {  	s3 =	sand.u32 $0x4000, s31;
	s1 =	sadd.s32 s1, s30  }
0x38: {  	s0 =	sor.u32 s3, s0;
	s1 =	sshll.u32 s1, $0x11  }
0x39: {  	s0 =	sor.u32 s1, s0  }
0x3a: {  	s0 =	sadd.s32 $0x8F2B, s0  }
0x3b: {  	[sflag:s0] =	ssyncadd.remote.s32 $0x1  }
0x3c: {  	_ =	sfence.sel $0xFFFF  }
0x3d: {  	[dreg:$0x0] =	wrdreg $0xFFFFFFFF;
	(pc) =	sbr.abs _section_cstart, $3  }
0x3e: {  	[dreg:$0x1] =	wrdreg $0xFFFFFFFF  }
0x3f: {  	_ =	task.clear_ibuf [dreg:s7], $0x2FFFF;
	_ =	strace $0x9FFFFFFF  }
0x40: {  	(tm) =	ssettm $0x7FFFFFFF  }
0x41: {  	_ =	shalt  }
tec
execute0_lowered:
.L_overlay_start_1:
0x0: {  	(tag) =	ssettag $0x1  }
0x1: {  	s0 =	stileid.u32;
	s7 =	rddreg [dreg:$0x0]  }
0x2: {  	s1 =	srdreg.scid;
	s2 =	rddreg [dreg:$0x1]  }
0x3: {  	s9 =	simm.s32 $0x20;
	s31 =	simm.s32 $0x2;
	s13 =	simm.s32 $0x0  }
0x4: {  	s14 =	simm.s32 $0x0;
	s1 =	sshll.u32 s1, $0x4;
	s3 =	sshll.u32 s0, $0x7  }
0x5: {  	s12 =	simm.s32 $0x0;
	s4 =	sand.u32 $0x10, s1;
	s3 =	sand.u32 $0x180, s3  }
0x6: {  	s1 =	rddreg [dreg:$0x2];
	s4 =	sor.u32 s0, s4;
	s5 =	ssub.s32 $0x200, s3  }
0x7: {  	_ =	strace $0x8000004A;
	s4 =	sshrl.u32 s4, $0x2;
	s6 =	sand.u32 $0x180, s5  }
0x8: {  	s8 =	sshrl.u32 s5, $0x9;
	p0 =	sne.s32 s6, $0x0;
	s6 =	simm.s32 $0x1  }
.Ltmp0:
0x9: {  	s6 =	simm.s32 @!p0 $0x0;
	p0 =	seq.s32 s4, $0x7;
	(pc) =	sbr.rel .LBB1_1-.Ltmp0, $4  }
0xa: {  	s5 =	simm.s32 $0x1;
	s6 =	sadd.s32 s6, s8;
	s9 =	simm.s32 @!p0 $0x21  }
0xb: {  	s7 =	sadd.s32 $0x4800, s7;
	[sflag:s5] =	ssyncpa.u1 $0x0;
	s6 =	smul.u32 s9, s6  }
0xc: {  	s11 =	smov.u32 s3;
	s10 =	smov.u32 s4;
	[sflag:s31] =	ssyncpa.u1 $0x0  }
0xd: {  	p0 =	por $0x0, $0x0;
	s9 =	simm.s32 $0x1000;
	s8 =	sadd.s32 $0x1, s6  }
.LBB1_4:
0xe: {  	v5 =	vld [tilespmem:s18+$0xFFFFFFD0];
	[tilespmem:s17+$0x2040 ss:$0x81] =	vst.msk $0xffff, v1  }
0xf: {  	v58 =	vld [tilespmem:s18+$0xFFFFFFE0];
	[tilespmem:s17+$0x2850 ss:$0x81] =	vst.msk $0xffff, v2  }
0x10: {  	s19 =	sshra.s32 s19, $0x2;
	v59 =	vld [tilespmem:s18+$0xFFFFFFF0];
	[tilespmem:s17+$0x3060 ss:$0x81] =	vst.msk $0xffff, v3  }
0x11: {  	v60 =	vld [tilespmem:s18+$0x0];
	[tilespmem:s17+$0x0 ss:$0x81] =	vst.msk $0xffff, v0;
	s16 =	sadd.s32 s19, s16  }
0x12: {  	v61 =	vld [tilespmem:s18+$0x10];
	[tilespmem:s16+$0x3870 ss:$0x81] =	vst.msk $0xffff, v4  }
0x13: {  	v62 =	vld [tilespmem:s18+$0x20];
	[tilespmem:s16+$0x810 ss:$0x81] =	vst.msk $0xffff, v5  }
0x14: {  	v63 =	vld [tilespmem:s18+$0xFFFFFFC0];
	[tilespmem:s16+$0x1020 ss:$0x81] =	vst.msk $0xffff, v58  }
0x15: {  	[tilespmem:s16+$0x1830 ss:$0x81] =	vst.msk $0xffff, v59  }
0x16: {  	s29 =	sand.u32 $0x1F80, s14;
	s13 =	sshll.u32 s13, $0xD;
	[tilespmem:s16+$0x2040 ss:$0x81] =	vst.msk $0xffff, v60  }
0x17: {  	s30 =	sshrl.u32 s14, $0x3;
	s31 =	sand.u32 $0x7, s14;
	s17 =	sadd.s32 s2, s29;
	[tilespmem:s16+$0x2850 ss:$0x81] =	vst.msk $0xffff, v61  }
0x18: {  	s18 =	sand.u32 $0xF, s30;
	s14 =	sshll.u32 s31, $0x12;
	s13 =	sadd.s32 s13, s17;
	[tilespmem:s16+$0x3060 ss:$0x81] =	vst.msk $0xffff, v62  }
0x19: {  	s14 =	sor.u32 $0x400, s14;
	s13 =	sadd.s32 s18, s13;
	[tilespmem:s16+$0x0 ss:$0x81] =	vst.msk $0xffff, v63  }
0x1a: {  	[hbm4b:s13+s14] =	stream.strided.scatter [tilespmem:s15], [sflag:$0x2], $0x4000, s9, s14, $0x20;
	[tilespmem:$0x10100] =	vst v63  }
.LBB1_5:
0x1b: {  	s15 =	sadd.s32 $0x8, s10  }
0x1c: {  	s13 =	sadd.s32 $0x200, s11;
	s17 =	smov.u32 s11;
	p2 =	sgt.s32 s15, $0x106  }
0x1d: {  	s17 =	smov.u32 @p2 s13  }
0x1e: {  	s15 =	smov.u32 @p2 s4;
	p2 =	sgt.s32 s17, $0x1FF  }
0x1f: {  	s17 =	smov.u32 @p2 s3;
	p2 =	sne.s32 s12, s8  }
.Ltmp1:
0x20: {  	p1 =	slt.u32 s12, $0x2;
	(pc) =	sbr.rel @!p2 .LBB1_6-.Ltmp1, $4  }
0x21: {  	s16 =	simm.s32 @!p1 $0x2  }
0x22: {  	s14 =	smov.u32 s11;
	p0 =	por !p0, !p0;
	_ =	swait.ge @!p1 [sflag:s16], $0x4000  }
0x23: {  	s13 =	smov.u32 s10;
	[sflag:s16] =	ssyncset.done @!p1 $0x0;
	s10 =	smov.u32 s15  }
0x24: {  	s12 =	sadd.s32 $0x1, s12;
	[sflag:s16] =	ssyncadd.s32 @!p1 $0xFFFFC000;
	s11 =	smov.u32 s17  }
.LBB1_1:
0x25: {  	p1 =	sge.u32 s12, s6  }
0x26: {  	s15 =	sand.u32 @!p1 $0x1FFFFFF, s10  }
0x27: {  	s16 =	smulhi.u32 @!p1 $0xF83E10, s15;
	_ =	sdelay $0x1  }
0x28: {  	s16 =	smul.u32 @!p1 $0x108, s16  }
0x29: {  	s17 =	sxor.u32 @!p1 $0xFFFFFFFF, s12;
	s18 =	smul.u32 @!p1 $0x1080, s11  }
0x2a: {  	s31 =	sadd.s32 $0xFFFFFFFF, s12;
	s17 =	sshll.u32 @!p1 s17, $0xE;
	s15 =	ssub.s32 @!p1 s15, s16  }
0x2b: {  	s16 =	sand.u32 @!p1 $0x4000, s17;
	s17 =	sadd.s32 @!p1 s7, s18;
	s15 =	sshll.u32 @!p1 s15, $0x4  }
0x2c: {  	s18 =	simm.s32 @!p1 $0x8400;
	s15 =	sadd.s32 @!p1 s15, s17;
	s17 =	simm.s32 @!p1 $0x80  }
0x2d: {  	[tilespmem:s16], [sflag:$0x1] =	stream.strided.gather @!p1 [hbm4b:s15+s17], $0x4000, s18, s17, $0x38;
	[tilespmem:$0x10100] =	vst v63  }
0x2e: {  	p1 =	sge.u32 s31, s6  }
.Ltmp2:
0x2f: {  	_ = 	snop;
	(pc) =	sbr.rel @p1 .LBB1_5-.Ltmp2, $1  }
0x30: {  	_ =	sdelay $0x3  }
0x31: {  	s15 =	simm.s32 $0x1  }
0x32: {  	_ =	swait.ge [sflag:s5], $0x4000;
	s15 =	simm.s32 @!p0 $0x0  }
0x33: {  	[sflag:s5] =	ssyncset.done $0x0;
	s16 =	sshll.u32 s15, $0xE  }
0x34: {  	[sflag:s5] =	ssyncadd.s32 $0xFFFFC000;
	s18 =	sor.u32 $0x40, s16  }
0x35: {  	s15 =	smul.u32 $0x10200, s15;
	v0 =	vld [tilespmem:s18+$0x30]  }
0x36: {  	v3 =	vld [tilespmem:s18+$0xFFFFFFD0]  }
0x37: {  	s15 =	sshrl.u32 s15, $0x2;
	v4 =	vld [tilespmem:s18+$0xFFFFFFE0]  }
0x38: {  	v5 =	vld [tilespmem:s18+$0xFFFFFFF0];
	s16 =	sor.u32 $0x8000, s15  }
0x39: {  	s31 =	sand.u32 $0x1, s12;
	v1 =	vld [tilespmem:s18+$0x0];
	s17 =	sadd.s32 $0x0, s16  }
0x3a: {  	v2 =	vld [tilespmem:s18+$0x10];
	s15 =	smul.u32 $0x10200, s31;
	[tilespmem:s17+$0x3870 ss:$0x81] =	vst.msk $0xffff, v0  }
0x3b: {  	[tilespmem:s17+$0x810 ss:$0x81] =	vst.msk $0xffff, v3;
	v3 =	vld [tilespmem:s18+$0x20]  }
0x3c: {  	s15 =	sshrl.u32 s15, $0x2;
	v0 =	vld [tilespmem:s18+$0xFFFFFFC0];
	[tilespmem:s17+$0x1020 ss:$0x81] =	vst.msk $0xffff, v4;
	s18 =	sadd.s32 $0x80, s18  }
0x3d: {  	s19 =	simm.s32 $0x4;
	s20 =	simm.s32 $0x8;
	s15 =	sor.u32 $0x8000, s15;
	[tilespmem:s17+$0x1830 ss:$0x81] =	vst.msk $0xffff, v5;
	v4 =	vld [tilespmem:s18+$0x30]  }
.LBB1_3:
0x3e: {  	p1 =	sne.s32 s20, $0x1FC;
	v5 =	vld [tilespmem:s18+$0xFFFFFFD0];
	[tilespmem:s17+$0x2040 ss:$0x81] =	vst.msk $0xffff, v1  }
0x3f: {  	v6 =	vld [tilespmem:s18+$0xFFFFFFE0];
	[tilespmem:s17+$0x2850 ss:$0x81] =	vst.msk $0xffff, v2  }
0x40: {  	s21 =	sshra.s32 s19, $0x2;
	s19 =	smov.u32 s20;
	v7 =	vld [tilespmem:s18+$0xFFFFFFF0];
	[tilespmem:s17+$0x3060 ss:$0x81] =	vst.msk $0xffff, v3  }
.Ltmp3:
0x41: {  	v1 =	vld [tilespmem:s18+$0x0];
	[tilespmem:s17+$0x0 ss:$0x81] =	vst.msk $0xffff, v0;
	s17 =	sadd.s32 s21, s16;
	(pc) =	sbr.rel @p1 .LBB1_3-.Ltmp3, $4  }
0x42: {  	v2 =	vld [tilespmem:s18+$0x10];
	[tilespmem:s17+$0x3870 ss:$0x81] =	vst.msk $0xffff, v4  }
0x43: {  	[tilespmem:s17+$0x810 ss:$0x81] =	vst.msk $0xffff, v5;
	v3 =	vld [tilespmem:s18+$0x20]  }
0x44: {  	v0 =	vld [tilespmem:s18+$0xFFFFFFC0];
	[tilespmem:s17+$0x1020 ss:$0x81] =	vst.msk $0xffff, v6;
	s18 =	sadd.s32 $0x80, s18  }
0x45: {  	s20 =	sadd.s32 $0x4, s20;
	v4 =	vld [tilespmem:s18+$0x30];
	[tilespmem:s17+$0x1830 ss:$0x81] =	vst.msk $0xffff, v7  }
.Ltmp4:
0x46: {  	_ = 	snop;
	(pc) =	sbr.rel .LBB1_4-.Ltmp4, $1  }
0x47: {  	_ =	sdelay $0x3  }
.LBB1_6:
0x48: {  	_ =	sfence.sel $0x180000  }
0x49: {  	s2 =	simm.s32 $0x1;
	[bflag:$0x0] =	sbarrier.arrive $0xFFFF  }
0x4a: {  	s31 =	simm.s32 $0x2;
	[sflag:s2] =	ssyncpa.u1 $0x1  }
0x4b: {  	[sflag:s31] =	ssyncpa.u1 $0x1  }
0x4c: {  	p0 =	sne.s32 s0, $0x0;
	_ =	strace $0x9000004A  }
0x4d: {  	s0 =	sadd.s32 @!p0 $0x100000, s1;
	[bflag:$0x2] =	sbarrier.arrive $0xFFFF  }
0x4e: {  	[sflag:s0] =	ssyncadd.tile.s32 @!p0 $0x1;
	_ =	shalt  }
.Lfunc_end1:
_tile_overlayer_lowered:
.L_overlay_start_2:
0x4f: {  	(tag) =	ssettag $0x2  }
0x50: {  	s0 =	rddreg [dreg:$0x0];
	s2 =	stileid.u32  }
0x51: {  	s1 =	rddreg [dreg:$0x1];
	p0 =	sne.s32 s2, $0x0  }
0x52: {  	s3 =	rddreg [dreg:$0x2];
	[bflag:$0x3] =	sbarrier.arrive $0xFFFF;
	s2 =	simm.s32 @!p0 $0x1C01  }
0x53: {  	[timem:s3], [sflag:s2] =	dma.local @!p0 [hbm:s0], s1  }
0x54: {  	s0 =	simm.s32 @!p0 $0x1  }
0x55: {  	_ =	swait.ge @!p0 [sflag:s0], s1  }
0x56: {  	s1 =	ssub.s32 @!p0 $0x0, s1;
	[sflag:s0] =	ssyncset.done @!p0 $0x0  }
0x57: {  	[sflag:s0] =	ssyncadd.s32 @!p0 s1  }
0x58: {  	[bflag:$0x3] =	sbarrier.arrive $0xFFFF  }
0x59: {  	_ =	shalt  }

</sc_bundles>
